<compile_context>
chip_gen: v7x
topology: tpu7x:2x2x1
jax: 0.10.2.dev20260603
libtpu: 0.0.44.dev20260713+nightly
codegen_flags: <defaults>
</compile_context>

<pallas_src>
import functools

import jax
import jax.numpy as jnp
from jax import lax
from jax.experimental import pallas as pl
from jax.experimental.pallas import tpu as pltpu
from jax.experimental.pallas import tpu_sc as plsc

N_LANES = 16
NUM_CORES = 2
NUM_SUBCORES = 16
NUM_WORKERS = NUM_CORES * NUM_SUBCORES


@functools.lru_cache(maxsize=None)
def _build_sc_kernel(n_nodes: int, n_elements: int, num_graphs: int):
    chunk = -(-n_nodes // NUM_WORKERS)
    chunk = -(-chunk // 8) * 8
    iters = -(-chunk // N_LANES)
    buf_rows = iters * N_LANES
    g_rows = num_graphs // 32

    mesh = plsc.VectorSubcoreMesh(core_axis_name="c", subcore_axis_name="s")

    @functools.partial(
        pl.kernel,
        mesh=mesh,
        compiler_params=pltpu.CompilerParams(needs_layout_passes=False),
        out_type=[
            jax.ShapeDtypeStruct((NUM_CORES, num_graphs), jnp.float32),
            jax.ShapeDtypeStruct((n_nodes,), jnp.float32),
        ],
        scratch_types=[
            pltpu.VMEM((buf_rows * n_elements,), jnp.float32),
            pltpu.VMEM((buf_rows,), jnp.int32),
            pltpu.VMEM((buf_rows,), jnp.float32),
            pltpu.VMEM((buf_rows,), jnp.float32),
            pltpu.VMEM((N_LANES,), jnp.float32),
            pltpu.VMEM((g_rows, 32), jnp.float32),
            pltpu.VMEM((NUM_SUBCORES, 32), jnp.float32),
            pltpu.VMEM((32,), jnp.float32),
            pltpu.VMEM_SHARED((NUM_SUBCORES, g_rows, 32), jnp.float32),
        ],
    )
    def sc_kernel(attrs_hbm, batch_hbm, loe_hbm, ae_hbm,
                  partial_hbm, ne_hbm,
                  attrs_v, batch_v, loe_v, ne_v, ae_v, seg_v, comb_v, out_v,
                  shared):
        c = lax.axis_index("c")
        s = lax.axis_index("s")
        w = s * NUM_CORES + c
        base = jnp.minimum(chunk * w, n_nodes - chunk)
        lo = chunk * w - base

        pltpu.sync_copy(attrs_hbm.at[pl.ds(base * n_elements, chunk * n_elements)],
                        attrs_v.at[pl.ds(0, chunk * n_elements)])
        pltpu.sync_copy(batch_hbm.at[pl.ds(base, chunk)],
                        batch_v.at[pl.ds(0, chunk)])
        pltpu.sync_copy(loe_hbm.at[pl.ds(base, chunk)],
                        loe_v.at[pl.ds(0, chunk)])
        pltpu.sync_copy(ae_hbm, ae_v.at[pl.ds(0, n_elements)])

        zero16 = jnp.zeros((N_LANES,), jnp.float32)
        for r in range(g_rows):
            for h in range(32 // N_LANES):
                seg_v[r, pl.ds(h * N_LANES, N_LANES)] = zero16

        ae_vec = ae_v[pl.ds(0, N_LANES)]
        ae_scalars = [ae_vec[e] for e in range(n_elements)]
        iota = lax.iota(jnp.int32, N_LANES)

        def step(i, carry):
            pos = i * N_LANES + iota
            acc = loe_v[pl.ds(i * N_LANES, N_LANES)]
            flat_base = pos * n_elements
            for e in range(n_elements):
                vals = plsc.load_gather(attrs_v, [flat_base + e])
                acc = acc + vals * ae_scalars[e]
            ne_v[pl.ds(i * N_LANES, N_LANES)] = acc
            b = batch_v[pl.ds(i * N_LANES, N_LANES)]
            own = (pos >= lo) & (pos < chunk)
            plsc.addupdate_scatter(
                seg_v, [b >> 5, b & 31], acc, mask=own)
            return carry

        lax.fori_loop(0, iters, step, 0)

        pltpu.sync_copy(ne_v.at[pl.ds(0, chunk)],
                        ne_hbm.at[pl.ds(base, chunk)])

        pltpu.sync_copy(seg_v, shared.at[s])
        plsc.subcore_barrier()
        pltpu.sync_copy(shared.at[:, s, :], comb_v)
        for h in range(32 // N_LANES):
            accv = zero16
            for r in range(NUM_SUBCORES):
                accv = accv + comb_v[r, pl.ds(h * N_LANES, N_LANES)]
            out_v[pl.ds(h * N_LANES, N_LANES)] = accv
        pltpu.sync_copy(out_v, partial_hbm.at[c, pl.ds(s * 32, 32)])

    return sc_kernel


def kernel(node_attrs, batch, ptr, layer_output_energies, atomic_energies):
    n_nodes, n_elements = node_attrs.shape
    num_graphs = ptr.shape[0] - 1
    sc = _build_sc_kernel(n_nodes, n_elements, num_graphs)
    attrs_flat = node_attrs.reshape(-1)
    partials, node_energy = sc(attrs_flat, batch, layer_output_energies,
                               atomic_energies)
    total_energy = partials[0] + partials[1]
    return total_energy, node_energy

# --- scband reference (transcript-rebuilt; emitter-appended) ---
"""Pipeline reference for scband-energy-model-mixin-37434934952449 (READ-ONLY COPY).

The authoritative reference and input builder live on the scoring server;
editing this copy changes nothing except your own understanding.
"""

import jax, jax.numpy as jnp
import numpy as np

N_NODES = 100000
N_ELEMENTS = 10
NUM_GRAPHS = 512

ATOMIC_ENERGIES = np.array([-13.587, -1029.413, -2042.611, -1484.987, -3.667, -54.583, -75.064, -99.718, -460.142, -8.124], dtype=np.float32)


def setup_inputs(seed: int = 0) -> dict:
    key = jax.random.key(seed)
    k1, k2, k3 = jax.random.split(key, 3)
    node_attrs = jax.random.uniform(k1, (N_NODES, N_ELEMENTS), dtype=jnp.float32)
    batch = jnp.sort(jax.random.randint(k2, (N_NODES,), 0, NUM_GRAPHS)).astype(jnp.int32)
    ptr = jnp.arange(NUM_GRAPHS + 1, dtype=jnp.int32)
    layer_output_energies = jax.random.normal(k3, (N_NODES,), dtype=jnp.float32)
    atomic_energies = jnp.asarray(ATOMIC_ENERGIES)
    return {
        "node_attrs": node_attrs,
        "batch": batch,
        "ptr": ptr,
        "layer_output_energies": layer_output_energies,
        "atomic_energies": atomic_energies,
    }


def reference(node_attrs, batch, ptr, layer_output_energies, atomic_energies):
    # num_graphs = data['ptr'].numel() - 1
    num_graphs = ptr.shape[0] - 1
    # AtomicEnergiesBlock: node_e0 = node_attrs @ atomic_energies  (per-node element-wise energy shift lookup)
    node_e0 = jnp.matmul(node_attrs, atomic_energies)
    node_energy = node_e0 + layer_output_energies
    # scatter_sum over graph index -> per-graph total energy
    total_energy = jax.ops.segment_sum(node_energy, batch, num_segments=num_graphs)
    return (total_energy, node_energy)

if __name__ == "__main__":
    import jax
    _d = setup_inputs()
    print(jax.jit(kernel)(*tuple(_d.values())))

</pallas_src>

<mosaic_0001>
#map = affine_map<(d0, d1) -> (0)>
#map1 = affine_map<(d0, d1) -> (0, 0)>
module attributes {stable_mosaic.version = 14 : i64} {
  func.func @sc_kernel(%arg0: i32, %arg1: i32, %arg2: memref<1000000xf32, #tpu.memory_space<hbm>>, %arg3: memref<100000xi32, #tpu.memory_space<hbm>>, %arg4: memref<100000xf32, #tpu.memory_space<hbm>>, %arg5: memref<10xf32, #tpu.memory_space<hbm>>, %arg6: memref<2x512xf32, #tpu.memory_space<hbm>>, %arg7: memref<100000xf32, #tpu.memory_space<hbm>>, %arg8: memref<31360xf32, #tpu.memory_space<vmem>>, %arg9: memref<3136xi32, #tpu.memory_space<vmem>>, %arg10: memref<3136xf32, #tpu.memory_space<vmem>>, %arg11: memref<3136xf32, #tpu.memory_space<vmem>>, %arg12: memref<16xf32, #tpu.memory_space<vmem>>, %arg13: memref<16x32xf32, #tpu.memory_space<vmem>>, %arg14: memref<16x32xf32, #tpu.memory_space<vmem>>, %arg15: memref<32xf32, #tpu.memory_space<vmem>>, %arg16: memref<16x16x32xf32, #tpu.memory_space<vmem_shared>>) attributes {dimension_semantics = [#tpu.dimension_semantics<core_parallel>, #tpu.dimension_semantics<subcore_parallel>], iteration_bounds = array<i64: 2, 16>, scalar_prefetch = 0 : i64, scratch_operands = 9 : i64, tpu.core_type = #tpu.core_type<sc_vector_subcore>, window_params = [{transform_indices = #map}, {transform_indices = #map}, {transform_indices = #map}, {transform_indices = #map}, {transform_indices = #map1}, {transform_indices = #map}]} {
    %mul3A = arith.constant 2 : i32
    %mul3A_0 = arith.muli %arg1, %mul3A : i32
    %add3A = arith.addi %mul3A_0, %arg0 : i32
    %mul3A_1 = arith.constant 3128 : i32
    %mul3A_2 = arith.muli %mul3A_1, %add3A : i32
    %min3A = arith.constant 96872 : i32
    %min3A_3 = arith.minsi %mul3A_2, %min3A : i32
    %mul3A_4 = arith.constant 3128 : i32
    %mul3A_5 = arith.muli %mul3A_4, %add3A : i32
    %sub3A = arith.subi %mul3A_5, %min3A_3 : i32
    %mul3A_6 = arith.constant 10 : i32
    %mul3A_7 = arith.muli %min3A_3, %mul3A_6 : i32
    "tpu.region"() ({
      %run_scoped3A = tpu.sem_alloc : memref<!tpu.dma_semaphore, #tpu.memory_space<semaphore_mem>>
      %dma_start3A = arith.constant 0 : i32
      %dma_start3A_326 = tpu.memref_slice %arg8[%dma_start3A] : memref<31360xf32, #tpu.memory_space<vmem>> -> memref<31280xf32, #tpu.memory_space<vmem>>
      %dma_start3A_327 = tpu.memref_slice %arg2[%mul3A_7] : memref<1000000xf32, #tpu.memory_space<hbm>> -> memref<31280xf32, #tpu.memory_space<hbm>>
      %dma_start3A_328 = arith.constant 0 : i32
      %dma_start3A_329 = tpu.memref_slice %arg8[%dma_start3A_328] : memref<31360xf32, #tpu.memory_space<vmem>> -> memref<31280xf32, #tpu.memory_space<vmem>>
      %dma_start3A_330 = tpu.memref_slice %arg2[%mul3A_7] : memref<1000000xf32, #tpu.memory_space<hbm>> -> memref<31280xf32, #tpu.memory_space<hbm>>
      tpu.enqueue_dma source(%dma_start3A_330 : memref<31280xf32, #tpu.memory_space<hbm>>) target(%dma_start3A_329 : memref<31280xf32, #tpu.memory_space<vmem>>) target_semaphore(%run_scoped3A : memref<!tpu.dma_semaphore, #tpu.memory_space<semaphore_mem>>)
      %dma_wait3A = arith.constant 0 : i32
      %dma_wait3A_331 = tpu.memref_slice %arg8[%dma_wait3A] : memref<31360xf32, #tpu.memory_space<vmem>> -> memref<31280xf32, #tpu.memory_space<vmem>>
      %dma_wait3A_332 = tpu.memref_slice %arg2[%mul3A_7] : memref<1000000xf32, #tpu.memory_space<hbm>> -> memref<31280xf32, #tpu.memory_space<hbm>>
      %dma_wait3A_333 = arith.constant 0 : i32
      %dma_wait3A_334 = tpu.memref_slice %arg8[%dma_wait3A_333] : memref<31360xf32, #tpu.memory_space<vmem>> -> memref<31280xf32, #tpu.memory_space<vmem>>
      %dma_wait3A_335 = tpu.memref_slice %arg2[%mul3A_7] : memref<1000000xf32, #tpu.memory_space<hbm>> -> memref<31280xf32, #tpu.memory_space<hbm>>
      tpu.wait_dma2 semaphore(%run_scoped3A : memref<!tpu.dma_semaphore, #tpu.memory_space<semaphore_mem>>) src(%dma_wait3A_335 : memref<31280xf32, #tpu.memory_space<hbm>>) dst(%dma_wait3A_334 : memref<31280xf32, #tpu.memory_space<vmem>>)
      tpu.yield
    }) : () -> ()
    "tpu.region"() ({
      %run_scoped3A = tpu.sem_alloc : memref<!tpu.dma_semaphore, #tpu.memory_space<semaphore_mem>>
      %dma_start3A = arith.constant 0 : i32
      %dma_start3A_326 = tpu.memref_slice %arg9[%dma_start3A] : memref<3136xi32, #tpu.memory_space<vmem>> -> memref<3128xi32, #tpu.memory_space<vmem>>
      %dma_start3A_327 = tpu.memref_slice %arg3[%min3A_3] : memref<100000xi32, #tpu.memory_space<hbm>> -> memref<3128xi32, #tpu.memory_space<hbm>>
      %dma_start3A_328 = arith.constant 0 : i32
      %dma_start3A_329 = tpu.memref_slice %arg9[%dma_start3A_328] : memref<3136xi32, #tpu.memory_space<vmem>> -> memref<3128xi32, #tpu.memory_space<vmem>>
      %dma_start3A_330 = tpu.memref_slice %arg3[%min3A_3] : memref<100000xi32, #tpu.memory_space<hbm>> -> memref<3128xi32, #tpu.memory_space<hbm>>
      tpu.enqueue_dma source(%dma_start3A_330 : memref<3128xi32, #tpu.memory_space<hbm>>) target(%dma_start3A_329 : memref<3128xi32, #tpu.memory_space<vmem>>) target_semaphore(%run_scoped3A : memref<!tpu.dma_semaphore, #tpu.memory_space<semaphore_mem>>)
      %dma_wait3A = arith.constant 0 : i32
      %dma_wait3A_331 = tpu.memref_slice %arg9[%dma_wait3A] : memref<3136xi32, #tpu.memory_space<vmem>> -> memref<3128xi32, #tpu.memory_space<vmem>>
      %dma_wait3A_332 = tpu.memref_slice %arg3[%min3A_3] : memref<100000xi32, #tpu.memory_space<hbm>> -> memref<3128xi32, #tpu.memory_space<hbm>>
      %dma_wait3A_333 = arith.constant 0 : i32
      %dma_wait3A_334 = tpu.memref_slice %arg9[%dma_wait3A_333] : memref<3136xi32, #tpu.memory_space<vmem>> -> memref<3128xi32, #tpu.memory_space<vmem>>
      %dma_wait3A_335 = tpu.memref_slice %arg3[%min3A_3] : memref<100000xi32, #tpu.memory_space<hbm>> -> memref<3128xi32, #tpu.memory_space<hbm>>
      tpu.wait_dma2 semaphore(%run_scoped3A : memref<!tpu.dma_semaphore, #tpu.memory_space<semaphore_mem>>) src(%dma_wait3A_335 : memref<3128xi32, #tpu.memory_space<hbm>>) dst(%dma_wait3A_334 : memref<3128xi32, #tpu.memory_space<vmem>>)
      tpu.yield
    }) : () -> ()
    "tpu.region"() ({
      %run_scoped3A = tpu.sem_alloc : memref<!tpu.dma_semaphore, #tpu.memory_space<semaphore_mem>>
      %dma_start3A = arith.constant 0 : i32
      %dma_start3A_326 = tpu.memref_slice %arg10[%dma_start3A] : memref<3136xf32, #tpu.memory_space<vmem>> -> memref<3128xf32, #tpu.memory_space<vmem>>
      %dma_start3A_327 = tpu.memref_slice %arg4[%min3A_3] : memref<100000xf32, #tpu.memory_space<hbm>> -> memref<3128xf32, #tpu.memory_space<hbm>>
      %dma_start3A_328 = arith.constant 0 : i32
      %dma_start3A_329 = tpu.memref_slice %arg10[%dma_start3A_328] : memref<3136xf32, #tpu.memory_space<vmem>> -> memref<3128xf32, #tpu.memory_space<vmem>>
      %dma_start3A_330 = tpu.memref_slice %arg4[%min3A_3] : memref<100000xf32, #tpu.memory_space<hbm>> -> memref<3128xf32, #tpu.memory_space<hbm>>
      tpu.enqueue_dma source(%dma_start3A_330 : memref<3128xf32, #tpu.memory_space<hbm>>) target(%dma_start3A_329 : memref<3128xf32, #tpu.memory_space<vmem>>) target_semaphore(%run_scoped3A : memref<!tpu.dma_semaphore, #tpu.memory_space<semaphore_mem>>)
      %dma_wait3A = arith.constant 0 : i32
      %dma_wait3A_331 = tpu.memref_slice %arg10[%dma_wait3A] : memref<3136xf32, #tpu.memory_space<vmem>> -> memref<3128xf32, #tpu.memory_space<vmem>>
      %dma_wait3A_332 = tpu.memref_slice %arg4[%min3A_3] : memref<100000xf32, #tpu.memory_space<hbm>> -> memref<3128xf32, #tpu.memory_space<hbm>>
      %dma_wait3A_333 = arith.constant 0 : i32
      %dma_wait3A_334 = tpu.memref_slice %arg10[%dma_wait3A_333] : memref<3136xf32, #tpu.memory_space<vmem>> -> memref<3128xf32, #tpu.memory_space<vmem>>
      %dma_wait3A_335 = tpu.memref_slice %arg4[%min3A_3] : memref<100000xf32, #tpu.memory_space<hbm>> -> memref<3128xf32, #tpu.memory_space<hbm>>
      tpu.wait_dma2 semaphore(%run_scoped3A : memref<!tpu.dma_semaphore, #tpu.memory_space<semaphore_mem>>) src(%dma_wait3A_335 : memref<3128xf32, #tpu.memory_space<hbm>>) dst(%dma_wait3A_334 : memref<3128xf32, #tpu.memory_space<vmem>>)
      tpu.yield
    }) : () -> ()
    "tpu.region"() ({
      %run_scoped3A = tpu.sem_alloc : memref<!tpu.dma_semaphore, #tpu.memory_space<semaphore_mem>>
      %dma_start3A = arith.constant 0 : i32
      %dma_start3A_326 = tpu.memref_slice %arg12[%dma_start3A] : memref<16xf32, #tpu.memory_space<vmem>> -> memref<10xf32, #tpu.memory_space<vmem>>
      %dma_start3A_327 = arith.constant 0 : i32
      %dma_start3A_328 = tpu.memref_slice %arg12[%dma_start3A_327] : memref<16xf32, #tpu.memory_space<vmem>> -> memref<10xf32, #tpu.memory_space<vmem>>
      tpu.enqueue_dma source(%arg5 : memref<10xf32, #tpu.memory_space<hbm>>) target(%dma_start3A_328 : memref<10xf32, #tpu.memory_space<vmem>>) target_semaphore(%run_scoped3A : memref<!tpu.dma_semaphore, #tpu.memory_space<semaphore_mem>>)
      %dma_wait3A = arith.constant 0 : i32
      %dma_wait3A_329 = tpu.memref_slice %arg12[%dma_wait3A] : memref<16xf32, #tpu.memory_space<vmem>> -> memref<10xf32, #tpu.memory_space<vmem>>
      %dma_wait3A_330 = arith.constant 0 : i32
      %dma_wait3A_331 = tpu.memref_slice %arg12[%dma_wait3A_330] : memref<16xf32, #tpu.memory_space<vmem>> -> memref<10xf32, #tpu.memory_space<vmem>>
      tpu.wait_dma2 semaphore(%run_scoped3A : memref<!tpu.dma_semaphore, #tpu.memory_space<semaphore_mem>>) src(%arg5 : memref<10xf32, #tpu.memory_space<hbm>>) dst(%dma_wait3A_331 : memref<10xf32, #tpu.memory_space<vmem>>)
      tpu.yield
    }) : () -> ()
    %broadcast_in_dim3A = arith.constant 0.000000e+00 : f32
    %broadcast_in_dim3A_8 = vector.broadcast %broadcast_in_dim3A : f32 to vector<16xf32>
    %swap3A = arith.constant 0 : i32
    %swap3A_9 = arith.index_cast %swap3A : i32 to index
    %swap3A_10 = arith.constant 0 : index
    %swap3A_11 = tpu.vector_load %arg13[%swap3A_9, %swap3A_10] {strides = array<i32>} : memref<16x32xf32, #tpu.memory_space<vmem>>, vector<16xf32>,
    tpu.vector_store %arg13[%swap3A_9, %swap3A_10], %broadcast_in_dim3A_8 {strides = array<i32>} : memref<16x32xf32, #tpu.memory_space<vmem>>, vector<16xf32>,
    %swap3A_12 = arith.constant 0 : i32
    %swap3A_13 = arith.index_cast %swap3A_12 : i32 to index
    %swap3A_14 = arith.constant 16 : index
    %swap3A_15 = tpu.vector_load %arg13[%swap3A_13, %swap3A_14] {strides = array<i32>} : memref<16x32xf32, #tpu.memory_space<vmem>>, vector<16xf32>,
    tpu.vector_store %arg13[%swap3A_13, %swap3A_14], %broadcast_in_dim3A_8 {strides = array<i32>} : memref<16x32xf32, #tpu.memory_space<vmem>>, vector<16xf32>,
    %swap3A_16 = arith.constant 1 : i32
    %swap3A_17 = arith.index_cast %swap3A_16 : i32 to index
    %swap3A_18 = arith.constant 0 : index
    %swap3A_19 = tpu.vector_load %arg13[%swap3A_17, %swap3A_18] {strides = array<i32>} : memref<16x32xf32, #tpu.memory_space<vmem>>, vector<16xf32>,
    tpu.vector_store %arg13[%swap3A_17, %swap3A_18], %broadcast_in_dim3A_8 {strides = array<i32>} : memref<16x32xf32, #tpu.memory_space<vmem>>, vector<16xf32>,
    %swap3A_20 = arith.constant 1 : i32
    %swap3A_21 = arith.index_cast %swap3A_20 : i32 to index
    %swap3A_22 = arith.constant 16 : index
    %swap3A_23 = tpu.vector_load %arg13[%swap3A_21, %swap3A_22] {strides = array<i32>} : memref<16x32xf32, #tpu.memory_space<vmem>>, vector<16xf32>,
    tpu.vector_store %arg13[%swap3A_21, %swap3A_22], %broadcast_in_dim3A_8 {strides = array<i32>} : memref<16x32xf32, #tpu.memory_space<vmem>>, vector<16xf32>,
    %swap3A_24 = arith.constant 2 : i32
    %swap3A_25 = arith.index_cast %swap3A_24 : i32 to index
    %swap3A_26 = arith.constant 0 : index
    %swap3A_27 = tpu.vector_load %arg13[%swap3A_25, %swap3A_26] {strides = array<i32>} : memref<16x32xf32, #tpu.memory_space<vmem>>, vector<16xf32>,
    tpu.vector_store %arg13[%swap3A_25, %swap3A_26], %broadcast_in_dim3A_8 {strides = array<i32>} : memref<16x32xf32, #tpu.memory_space<vmem>>, vector<16xf32>,
    %swap3A_28 = arith.constant 2 : i32
    %swap3A_29 = arith.index_cast %swap3A_28 : i32 to index
    %swap3A_30 = arith.constant 16 : index
    %swap3A_31 = tpu.vector_load %arg13[%swap3A_29, %swap3A_30] {strides = array<i32>} : memref<16x32xf32, #tpu.memory_space<vmem>>, vector<16xf32>,
    tpu.vector_store %arg13[%swap3A_29, %swap3A_30], %broadcast_in_dim3A_8 {strides = array<i32>} : memref<16x32xf32, #tpu.memory_space<vmem>>, vector<16xf32>,
    %swap3A_32 = arith.constant 3 : i32
    %swap3A_33 = arith.index_cast %swap3A_32 : i32 to index
    %swap3A_34 = arith.constant 0 : index
    %swap3A_35 = tpu.vector_load %arg13[%swap3A_33, %swap3A_34] {strides = array<i32>} : memref<16x32xf32, #tpu.memory_space<vmem>>, vector<16xf32>,
    tpu.vector_store %arg13[%swap3A_33, %swap3A_34], %broadcast_in_dim3A_8 {strides = array<i32>} : memref<16x32xf32, #tpu.memory_space<vmem>>, vector<16xf32>,
    %swap3A_36 = arith.constant 3 : i32
    %swap3A_37 = arith.index_cast %swap3A_36 : i32 to index
    %swap3A_38 = arith.constant 16 : index
    %swap3A_39 = tpu.vector_load %arg13[%swap3A_37, %swap3A_38] {strides = array<i32>} : memref<16x32xf32, #tpu.memory_space<vmem>>, vector<16xf32>,
    tpu.vector_store %arg13[%swap3A_37, %swap3A_38], %broadcast_in_dim3A_8 {strides = array<i32>} : memref<16x32xf32, #tpu.memory_space<vmem>>, vector<16xf32>,
    %swap3A_40 = arith.constant 4 : i32
    %swap3A_41 = arith.index_cast %swap3A_40 : i32 to index
    %swap3A_42 = arith.constant 0 : index
    %swap3A_43 = tpu.vector_load %arg13[%swap3A_41, %swap3A_42] {strides = array<i32>} : memref<16x32xf32, #tpu.memory_space<vmem>>, vector<16xf32>,
    tpu.vector_store %arg13[%swap3A_41, %swap3A_42], %broadcast_in_dim3A_8 {strides = array<i32>} : memref<16x32xf32, #tpu.memory_space<vmem>>, vector<16xf32>,
    %swap3A_44 = arith.constant 4 : i32
    %swap3A_45 = arith.index_cast %swap3A_44 : i32 to index
    %swap3A_46 = arith.constant 16 : index
    %swap3A_47 = tpu.vector_load %arg13[%swap3A_45, %swap3A_46] {strides = array<i32>} : memref<16x32xf32, #tpu.memory_space<vmem>>, vector<16xf32>,
    tpu.vector_store %arg13[%swap3A_45, %swap3A_46], %broadcast_in_dim3A_8 {strides = array<i32>} : memref<16x32xf32, #tpu.memory_space<vmem>>, vector<16xf32>,
    %swap3A_48 = arith.constant 5 : i32
    %swap3A_49 = arith.index_cast %swap3A_48 : i32 to index
    %swap3A_50 = arith.constant 0 : index
    %swap3A_51 = tpu.vector_load %arg13[%swap3A_49, %swap3A_50] {strides = array<i32>} : memref<16x32xf32, #tpu.memory_space<vmem>>, vector<16xf32>,
    tpu.vector_store %arg13[%swap3A_49, %swap3A_50], %broadcast_in_dim3A_8 {strides = array<i32>} : memref<16x32xf32, #tpu.memory_space<vmem>>, vector<16xf32>,
    %swap3A_52 = arith.constant 5 : i32
    %swap3A_53 = arith.index_cast %swap3A_52 : i32 to index
    %swap3A_54 = arith.constant 16 : index
    %swap3A_55 = tpu.vector_load %arg13[%swap3A_53, %swap3A_54] {strides = array<i32>} : memref<16x32xf32, #tpu.memory_space<vmem>>, vector<16xf32>,
    tpu.vector_store %arg13[%swap3A_53, %swap3A_54], %broadcast_in_dim3A_8 {strides = array<i32>} : memref<16x32xf32, #tpu.memory_space<vmem>>, vector<16xf32>,
    %swap3A_56 = arith.constant 6 : i32
    %swap3A_57 = arith.index_cast %swap3A_56 : i32 to index
    %swap3A_58 = arith.constant 0 : index
    %swap3A_59 = tpu.vector_load %arg13[%swap3A_57, %swap3A_58] {strides = array<i32>} : memref<16x32xf32, #tpu.memory_space<vmem>>, vector<16xf32>,
    tpu.vector_store %arg13[%swap3A_57, %swap3A_58], %broadcast_in_dim3A_8 {strides = array<i32>} : memref<16x32xf32, #tpu.memory_space<vmem>>, vector<16xf32>,
    %swap3A_60 = arith.constant 6 : i32
    %swap3A_61 = arith.index_cast %swap3A_60 : i32 to index
    %swap3A_62 = arith.constant 16 : index
    %swap3A_63 = tpu.vector_load %arg13[%swap3A_61, %swap3A_62] {strides = array<i32>} : memref<16x32xf32, #tpu.memory_space<vmem>>, vector<16xf32>,
    tpu.vector_store %arg13[%swap3A_61, %swap3A_62], %broadcast_in_dim3A_8 {strides = array<i32>} : memref<16x32xf32, #tpu.memory_space<vmem>>, vector<16xf32>,
    %swap3A_64 = arith.constant 7 : i32
    %swap3A_65 = arith.index_cast %swap3A_64 : i32 to index
    %swap3A_66 = arith.constant 0 : index
    %swap3A_67 = tpu.vector_load %arg13[%swap3A_65, %swap3A_66] {strides = array<i32>} : memref<16x32xf32, #tpu.memory_space<vmem>>, vector<16xf32>,
    tpu.vector_store %arg13[%swap3A_65, %swap3A_66], %broadcast_in_dim3A_8 {strides = array<i32>} : memref<16x32xf32, #tpu.memory_space<vmem>>, vector<16xf32>,
    %swap3A_68 = arith.constant 7 : i32
    %swap3A_69 = arith.index_cast %swap3A_68 : i32 to index
    %swap3A_70 = arith.constant 16 : index
    %swap3A_71 = tpu.vector_load %arg13[%swap3A_69, %swap3A_70] {strides = array<i32>} : memref<16x32xf32, #tpu.memory_space<vmem>>, vector<16xf32>,
    tpu.vector_store %arg13[%swap3A_69, %swap3A_70], %broadcast_in_dim3A_8 {strides = array<i32>} : memref<16x32xf32, #tpu.memory_space<vmem>>, vector<16xf32>,
    %swap3A_72 = arith.constant 8 : i32
    %swap3A_73 = arith.index_cast %swap3A_72 : i32 to index
    %swap3A_74 = arith.constant 0 : index
    %swap3A_75 = tpu.vector_load %arg13[%swap3A_73, %swap3A_74] {strides = array<i32>} : memref<16x32xf32, #tpu.memory_space<vmem>>, vector<16xf32>,
    tpu.vector_store %arg13[%swap3A_73, %swap3A_74], %broadcast_in_dim3A_8 {strides = array<i32>} : memref<16x32xf32, #tpu.memory_space<vmem>>, vector<16xf32>,
    %swap3A_76 = arith.constant 8 : i32
    %swap3A_77 = arith.index_cast %swap3A_76 : i32 to index
    %swap3A_78 = arith.constant 16 : index
    %swap3A_79 = tpu.vector_load %arg13[%swap3A_77, %swap3A_78] {strides = array<i32>} : memref<16x32xf32, #tpu.memory_space<vmem>>, vector<16xf32>,
    tpu.vector_store %arg13[%swap3A_77, %swap3A_78], %broadcast_in_dim3A_8 {strides = array<i32>} : memref<16x32xf32, #tpu.memory_space<vmem>>, vector<16xf32>,
    %swap3A_80 = arith.constant 9 : i32
    %swap3A_81 = arith.index_cast %swap3A_80 : i32 to index
    %swap3A_82 = arith.constant 0 : index
    %swap3A_83 = tpu.vector_load %arg13[%swap3A_81, %swap3A_82] {strides = array<i32>} : memref<16x32xf32, #tpu.memory_space<vmem>>, vector<16xf32>,
    tpu.vector_store %arg13[%swap3A_81, %swap3A_82], %broadcast_in_dim3A_8 {strides = array<i32>} : memref<16x32xf32, #tpu.memory_space<vmem>>, vector<16xf32>,
    %swap3A_84 = arith.constant 9 : i32
    %swap3A_85 = arith.index_cast %swap3A_84 : i32 to index
    %swap3A_86 = arith.constant 16 : index
    %swap3A_87 = tpu.vector_load %arg13[%swap3A_85, %swap3A_86] {strides = array<i32>} : memref<16x32xf32, #tpu.memory_space<vmem>>, vector<16xf32>,
    tpu.vector_store %arg13[%swap3A_85, %swap3A_86], %broadcast_in_dim3A_8 {strides = array<i32>} : memref<16x32xf32, #tpu.memory_space<vmem>>, vector<16xf32>,
    %swap3A_88 = arith.constant 10 : i32
    %swap3A_89 = arith.index_cast %swap3A_88 : i32 to index
    %swap3A_90 = arith.constant 0 : index
    %swap3A_91 = tpu.vector_load %arg13[%swap3A_89, %swap3A_90] {strides = array<i32>} : memref<16x32xf32, #tpu.memory_space<vmem>>, vector<16xf32>,
    tpu.vector_store %arg13[%swap3A_89, %swap3A_90], %broadcast_in_dim3A_8 {strides = array<i32>} : memref<16x32xf32, #tpu.memory_space<vmem>>, vector<16xf32>,
    %swap3A_92 = arith.constant 10 : i32
    %swap3A_93 = arith.index_cast %swap3A_92 : i32 to index
    %swap3A_94 = arith.constant 16 : index
    %swap3A_95 = tpu.vector_load %arg13[%swap3A_93, %swap3A_94] {strides = array<i32>} : memref<16x32xf32, #tpu.memory_space<vmem>>, vector<16xf32>,
    tpu.vector_store %arg13[%swap3A_93, %swap3A_94], %broadcast_in_dim3A_8 {strides = array<i32>} : memref<16x32xf32, #tpu.memory_space<vmem>>, vector<16xf32>,
    %swap3A_96 = arith.constant 11 : i32
    %swap3A_97 = arith.index_cast %swap3A_96 : i32 to index
    %swap3A_98 = arith.constant 0 : index
    %swap3A_99 = tpu.vector_load %arg13[%swap3A_97, %swap3A_98] {strides = array<i32>} : memref<16x32xf32, #tpu.memory_space<vmem>>, vector<16xf32>,
    tpu.vector_store %arg13[%swap3A_97, %swap3A_98], %broadcast_in_dim3A_8 {strides = array<i32>} : memref<16x32xf32, #tpu.memory_space<vmem>>, vector<16xf32>,
    %swap3A_100 = arith.constant 11 : i32
    %swap3A_101 = arith.index_cast %swap3A_100 : i32 to index
    %swap3A_102 = arith.constant 16 : index
    %swap3A_103 = tpu.vector_load %arg13[%swap3A_101, %swap3A_102] {strides = array<i32>} : memref<16x32xf32, #tpu.memory_space<vmem>>, vector<16xf32>,
    tpu.vector_store %arg13[%swap3A_101, %swap3A_102], %broadcast_in_dim3A_8 {strides = array<i32>} : memref<16x32xf32, #tpu.memory_space<vmem>>, vector<16xf32>,
    %swap3A_104 = arith.constant 12 : i32
    %swap3A_105 = arith.index_cast %swap3A_104 : i32 to index
    %swap3A_106 = arith.constant 0 : index
    %swap3A_107 = tpu.vector_load %arg13[%swap3A_105, %swap3A_106] {strides = array<i32>} : memref<16x32xf32, #tpu.memory_space<vmem>>, vector<16xf32>,
    tpu.vector_store %arg13[%swap3A_105, %swap3A_106], %broadcast_in_dim3A_8 {strides = array<i32>} : memref<16x32xf32, #tpu.memory_space<vmem>>, vector<16xf32>,
    %swap3A_108 = arith.constant 12 : i32
    %swap3A_109 = arith.index_cast %swap3A_108 : i32 to index
    %swap3A_110 = arith.constant 16 : index
    %swap3A_111 = tpu.vector_load %arg13[%swap3A_109, %swap3A_110] {strides = array<i32>} : memref<16x32xf32, #tpu.memory_space<vmem>>, vector<16xf32>,
    tpu.vector_store %arg13[%swap3A_109, %swap3A_110], %broadcast_in_dim3A_8 {strides = array<i32>} : memref<16x32xf32, #tpu.memory_space<vmem>>, vector<16xf32>,
    %swap3A_112 = arith.constant 13 : i32
    %swap3A_113 = arith.index_cast %swap3A_112 : i32 to index
    %swap3A_114 = arith.constant 0 : index
    %swap3A_115 = tpu.vector_load %arg13[%swap3A_113, %swap3A_114] {strides = array<i32>} : memref<16x32xf32, #tpu.memory_space<vmem>>, vector<16xf32>,
    tpu.vector_store %arg13[%swap3A_113, %swap3A_114], %broadcast_in_dim3A_8 {strides = array<i32>} : memref<16x32xf32, #tpu.memory_space<vmem>>, vector<16xf32>,
    %swap3A_116 = arith.constant 13 : i32
    %swap3A_117 = arith.index_cast %swap3A_116 : i32 to index
    %swap3A_118 = arith.constant 16 : index
    %swap3A_119 = tpu.vector_load %arg13[%swap3A_117, %swap3A_118] {strides = array<i32>} : memref<16x32xf32, #tpu.memory_space<vmem>>, vector<16xf32>,
    tpu.vector_store %arg13[%swap3A_117, %swap3A_118], %broadcast_in_dim3A_8 {strides = array<i32>} : memref<16x32xf32, #tpu.memory_space<vmem>>, vector<16xf32>,
    %swap3A_120 = arith.constant 14 : i32
    %swap3A_121 = arith.index_cast %swap3A_120 : i32 to index
    %swap3A_122 = arith.constant 0 : index
    %swap3A_123 = tpu.vector_load %arg13[%swap3A_121, %swap3A_122] {strides = array<i32>} : memref<16x32xf32, #tpu.memory_space<vmem>>, vector<16xf32>,
    tpu.vector_store %arg13[%swap3A_121, %swap3A_122], %broadcast_in_dim3A_8 {strides = array<i32>} : memref<16x32xf32, #tpu.memory_space<vmem>>, vector<16xf32>,
    %swap3A_124 = arith.constant 14 : i32
    %swap3A_125 = arith.index_cast %swap3A_124 : i32 to index
    %swap3A_126 = arith.constant 16 : index
    %swap3A_127 = tpu.vector_load %arg13[%swap3A_125, %swap3A_126] {strides = array<i32>} : memref<16x32xf32, #tpu.memory_space<vmem>>, vector<16xf32>,
    tpu.vector_store %arg13[%swap3A_125, %swap3A_126], %broadcast_in_dim3A_8 {strides = array<i32>} : memref<16x32xf32, #tpu.memory_space<vmem>>, vector<16xf32>,
    %swap3A_128 = arith.constant 15 : i32
    %swap3A_129 = arith.index_cast %swap3A_128 : i32 to index
    %swap3A_130 = arith.constant 0 : index
    %swap3A_131 = tpu.vector_load %arg13[%swap3A_129, %swap3A_130] {strides = array<i32>} : memref<16x32xf32, #tpu.memory_space<vmem>>, vector<16xf32>,
    tpu.vector_store %arg13[%swap3A_129, %swap3A_130], %broadcast_in_dim3A_8 {strides = array<i32>} : memref<16x32xf32, #tpu.memory_space<vmem>>, vector<16xf32>,
    %swap3A_132 = arith.constant 15 : i32
    %swap3A_133 = arith.index_cast %swap3A_132 : i32 to index
    %swap3A_134 = arith.constant 16 : index
    %swap3A_135 = tpu.vector_load %arg13[%swap3A_133, %swap3A_134] {strides = array<i32>} : memref<16x32xf32, #tpu.memory_space<vmem>>, vector<16xf32>,
    tpu.vector_store %arg13[%swap3A_133, %swap3A_134], %broadcast_in_dim3A_8 {strides = array<i32>} : memref<16x32xf32, #tpu.memory_space<vmem>>, vector<16xf32>,
    %get3A = arith.constant 0 : index
    %get3A_136 = tpu.vector_load %arg12[%get3A] {strides = array<i32>} : memref<16xf32, #tpu.memory_space<vmem>>, vector<16xf32>,
    %slice3A = vector.extract_strided_slice %get3A_136 {offsets = [0], sizes = [1], strides = [1]} : vector<16xf32> to vector<1xf32>
    %squeeze3A = vector.extract %slice3A[0] : f32 from vector<1xf32>
    %slice3A_137 = vector.extract_strided_slice %get3A_136 {offsets = [1], sizes = [1], strides = [1]} : vector<16xf32> to vector<1xf32>
    %squeeze3A_138 = vector.extract %slice3A_137[0] : f32 from vector<1xf32>
    %slice3A_139 = vector.extract_strided_slice %get3A_136 {offsets = [2], sizes = [1], strides = [1]} : vector<16xf32> to vector<1xf32>
    %squeeze3A_140 = vector.extract %slice3A_139[0] : f32 from vector<1xf32>
    %slice3A_141 = vector.extract_strided_slice %get3A_136 {offsets = [3], sizes = [1], strides = [1]} : vector<16xf32> to vector<1xf32>
    %squeeze3A_142 = vector.extract %slice3A_141[0] : f32 from vector<1xf32>
    %slice3A_143 = vector.extract_strided_slice %get3A_136 {offsets = [4], sizes = [1], strides = [1]} : vector<16xf32> to vector<1xf32>
    %squeeze3A_144 = vector.extract %slice3A_143[0] : f32 from vector<1xf32>
    %slice3A_145 = vector.extract_strided_slice %get3A_136 {offsets = [5], sizes = [1], strides = [1]} : vector<16xf32> to vector<1xf32>
    %squeeze3A_146 = vector.extract %slice3A_145[0] : f32 from vector<1xf32>
    %slice3A_147 = vector.extract_strided_slice %get3A_136 {offsets = [6], sizes = [1], strides = [1]} : vector<16xf32> to vector<1xf32>
    %squeeze3A_148 = vector.extract %slice3A_147[0] : f32 from vector<1xf32>
    %slice3A_149 = vector.extract_strided_slice %get3A_136 {offsets = [7], sizes = [1], strides = [1]} : vector<16xf32> to vector<1xf32>
    %squeeze3A_150 = vector.extract %slice3A_149[0] : f32 from vector<1xf32>
    %slice3A_151 = vector.extract_strided_slice %get3A_136 {offsets = [8], sizes = [1], strides = [1]} : vector<16xf32> to vector<1xf32>
    %squeeze3A_152 = vector.extract %slice3A_151[0] : f32 from vector<1xf32>
    %slice3A_153 = vector.extract_strided_slice %get3A_136 {offsets = [9], sizes = [1], strides = [1]} : vector<16xf32> to vector<1xf32>
    %squeeze3A_154 = vector.extract %slice3A_153[0] : f32 from vector<1xf32>
    %iota3A = tpu.iota {dimensions = array<i32: 0>} : vector<16xi32>
    %scan3A = arith.constant 0 : i32
    %scan3A_155 = arith.constant 0 : i32
    %scan3A_156 = arith.constant 196 : i32
    %scan3A_157 = arith.addi %scan3A_155, %scan3A_156 : i32
    %scan3A_158 = arith.constant 1 : i32
    scf.for %scan3A_326 = %scan3A_155 to %scan3A_157 step %scan3A_158  : i32 {
      %mul3A_327 = arith.constant 16 : i32
      %mul3A_328 = arith.muli %scan3A_326, %mul3A_327 : i32
      %add3A_329 = vector.broadcast %mul3A_328 : i32 to vector<16xi32>
      %add3A_330 = arith.addi %add3A_329, %iota3A : vector<16xi32>
      %mul3A_331 = arith.constant 16 : i32
      %mul3A_332 = arith.muli %scan3A_326, %mul3A_331 : i32
      %get3A_333 = arith.index_cast %mul3A_332 : i32 to index
      %get3A_334 = tpu.vector_load %arg10[%get3A_333] {strides = array<i32>} : memref<3136xf32, #tpu.memory_space<vmem>>, vector<16xf32>,
      %mul3A_335 = arith.constant 10 : i32
      %mul3A_336 = vector.broadcast %mul3A_335 : i32 to vector<16xi32>
      %mul3A_337 = arith.muli %add3A_330, %mul3A_336 : vector<16xi32>
      %add3A_338 = arith.constant 0 : i32
      %add3A_339 = vector.broadcast %add3A_338 : i32 to vector<16xi32>
      %add3A_340 = arith.addi %mul3A_337, %add3A_339 : vector<16xi32>
      %gather3A = tpu.vector_load_idx %arg8[%add3A_340] : memref<31360xf32, #tpu.memory_space<vmem>>[vector<16xi32>], vector<16xf32>,
      %mul3A_341 = vector.broadcast %squeeze3A : f32 to vector<16xf32>
      %mul3A_342 = arith.mulf %gather3A, %mul3A_341 : vector<16xf32>
      %add3A_343 = arith.addf %get3A_334, %mul3A_342 : vector<16xf32>
      %add3A_344 = arith.constant 1 : i32
      %add3A_345 = vector.broadcast %add3A_344 : i32 to vector<16xi32>
      %add3A_346 = arith.addi %mul3A_337, %add3A_345 : vector<16xi32>
      %gather3A_347 = tpu.vector_load_idx %arg8[%add3A_346] : memref<31360xf32, #tpu.memory_space<vmem>>[vector<16xi32>], vector<16xf32>,
      %mul3A_348 = vector.broadcast %squeeze3A_138 : f32 to vector<16xf32>
      %mul3A_349 = arith.mulf %gather3A_347, %mul3A_348 : vector<16xf32>
      %add3A_350 = arith.addf %add3A_343, %mul3A_349 : vector<16xf32>
      %add3A_351 = arith.constant 2 : i32
      %add3A_352 = vector.broadcast %add3A_351 : i32 to vector<16xi32>
      %add3A_353 = arith.addi %mul3A_337, %add3A_352 : vector<16xi32>
      %gather3A_354 = tpu.vector_load_idx %arg8[%add3A_353] : memref<31360xf32, #tpu.memory_space<vmem>>[vector<16xi32>], vector<16xf32>,
      %mul3A_355 = vector.broadcast %squeeze3A_140 : f32 to vector<16xf32>
      %mul3A_356 = arith.mulf %gather3A_354, %mul3A_355 : vector<16xf32>
      %add3A_357 = arith.addf %add3A_350, %mul3A_356 : vector<16xf32>
      %add3A_358 = arith.constant 3 : i32
      %add3A_359 = vector.broadcast %add3A_358 : i32 to vector<16xi32>
      %add3A_360 = arith.addi %mul3A_337, %add3A_359 : vector<16xi32>
      %gather3A_361 = tpu.vector_load_idx %arg8[%add3A_360] : memref<31360xf32, #tpu.memory_space<vmem>>[vector<16xi32>], vector<16xf32>,
      %mul3A_362 = vector.broadcast %squeeze3A_142 : f32 to vector<16xf32>
      %mul3A_363 = arith.mulf %gather3A_361, %mul3A_362 : vector<16xf32>
      %add3A_364 = arith.addf %add3A_357, %mul3A_363 : vector<16xf32>
      %add3A_365 = arith.constant 4 : i32
      %add3A_366 = vector.broadcast %add3A_365 : i32 to vector<16xi32>
      %add3A_367 = arith.addi %mul3A_337, %add3A_366 : vector<16xi32>
      %gather3A_368 = tpu.vector_load_idx %arg8[%add3A_367] : memref<31360xf32, #tpu.memory_space<vmem>>[vector<16xi32>], vector<16xf32>,
      %mul3A_369 = vector.broadcast %squeeze3A_144 : f32 to vector<16xf32>
      %mul3A_370 = arith.mulf %gather3A_368, %mul3A_369 : vector<16xf32>
      %add3A_371 = arith.addf %add3A_364, %mul3A_370 : vector<16xf32>
      %add3A_372 = arith.constant 5 : i32
      %add3A_373 = vector.broadcast %add3A_372 : i32 to vector<16xi32>
      %add3A_374 = arith.addi %mul3A_337, %add3A_373 : vector<16xi32>
      %gather3A_375 = tpu.vector_load_idx %arg8[%add3A_374] : memref<31360xf32, #tpu.memory_space<vmem>>[vector<16xi32>], vector<16xf32>,
      %mul3A_376 = vector.broadcast %squeeze3A_146 : f32 to vector<16xf32>
      %mul3A_377 = arith.mulf %gather3A_375, %mul3A_376 : vector<16xf32>
      %add3A_378 = arith.addf %add3A_371, %mul3A_377 : vector<16xf32>
      %add3A_379 = arith.constant 6 : i32
      %add3A_380 = vector.broadcast %add3A_379 : i32 to vector<16xi32>
      %add3A_381 = arith.addi %mul3A_337, %add3A_380 : vector<16xi32>
      %gather3A_382 = tpu.vector_load_idx %arg8[%add3A_381] : memref<31360xf32, #tpu.memory_space<vmem>>[vector<16xi32>], vector<16xf32>,
      %mul3A_383 = vector.broadcast %squeeze3A_148 : f32 to vector<16xf32>
      %mul3A_384 = arith.mulf %gather3A_382, %mul3A_383 : vector<16xf32>
      %add3A_385 = arith.addf %add3A_378, %mul3A_384 : vector<16xf32>
      %add3A_386 = arith.constant 7 : i32
      %add3A_387 = vector.broadcast %add3A_386 : i32 to vector<16xi32>
      %add3A_388 = arith.addi %mul3A_337, %add3A_387 : vector<16xi32>
      %gather3A_389 = tpu.vector_load_idx %arg8[%add3A_388] : memref<31360xf32, #tpu.memory_space<vmem>>[vector<16xi32>], vector<16xf32>,
      %mul3A_390 = vector.broadcast %squeeze3A_150 : f32 to vector<16xf32>
      %mul3A_391 = arith.mulf %gather3A_389, %mul3A_390 : vector<16xf32>
      %add3A_392 = arith.addf %add3A_385, %mul3A_391 : vector<16xf32>
      %add3A_393 = arith.constant 8 : i32
      %add3A_394 = vector.broadcast %add3A_393 : i32 to vector<16xi32>
      %add3A_395 = arith.addi %mul3A_337, %add3A_394 : vector<16xi32>
      %gather3A_396 = tpu.vector_load_idx %arg8[%add3A_395] : memref<31360xf32, #tpu.memory_space<vmem>>[vector<16xi32>], vector<16xf32>,
      %mul3A_397 = vector.broadcast %squeeze3A_152 : f32 to vector<16xf32>
      %mul3A_398 = arith.mulf %gather3A_396, %mul3A_397 : vector<16xf32>
      %add3A_399 = arith.addf %add3A_392, %mul3A_398 : vector<16xf32>
      %add3A_400 = arith.constant 9 : i32
      %add3A_401 = vector.broadcast %add3A_400 : i32 to vector<16xi32>
      %add3A_402 = arith.addi %mul3A_337, %add3A_401 : vector<16xi32>
      %gather3A_403 = tpu.vector_load_idx %arg8[%add3A_402] : memref<31360xf32, #tpu.memory_space<vmem>>[vector<16xi32>], vector<16xf32>,
      %mul3A_404 = vector.broadcast %squeeze3A_154 : f32 to vector<16xf32>
      %mul3A_405 = arith.mulf %gather3A_403, %mul3A_404 : vector<16xf32>
      %add3A_406 = arith.addf %add3A_399, %mul3A_405 : vector<16xf32>
      %mul3A_407 = arith.constant 16 : i32
      %mul3A_408 = arith.muli %scan3A_326, %mul3A_407 : i32
      %swap3A_409 = arith.index_cast %mul3A_408 : i32 to index
      %swap3A_410 = tpu.vector_load %arg11[%swap3A_409] {strides = array<i32>} : memref<3136xf32, #tpu.memory_space<vmem>>, vector<16xf32>,
      tpu.vector_store %arg11[%swap3A_409], %add3A_406 {strides = array<i32>} : memref<3136xf32, #tpu.memory_space<vmem>>, vector<16xf32>,
      %mul3A_411 = arith.constant 16 : i32
      %mul3A_412 = arith.muli %scan3A_326, %mul3A_411 : i32
      %get3A_413 = arith.index_cast %mul3A_412 : i32 to index
      %get3A_414 = tpu.vector_load %arg9[%get3A_413] {strides = array<i32>} : memref<3136xi32, #tpu.memory_space<vmem>>, vector<16xi32>,
      %ge3A = vector.broadcast %sub3A : i32 to vector<16xi32>
      %ge3A_415 = arith.cmpi sge, %add3A_330, %ge3A : vector<16xi32>
      %lt3A = arith.constant 3128 : i32
      %lt3A_416 = vector.broadcast %lt3A : i32 to vector<16xi32>
      %lt3A_417 = arith.cmpi slt, %add3A_330, %lt3A_416 : vector<16xi32>
      %and3A = arith.andi %ge3A_415, %lt3A_417 : vector<16xi1>
      %shift_right_arithmetic3A = arith.constant 5 : i32
      %shift_right_arithmetic3A_418 = vector.broadcast %shift_right_arithmetic3A : i32 to vector<16xi32>
      %shift_right_arithmetic3A_419 = arith.shrsi %get3A_414, %shift_right_arithmetic3A_418 : vector<16xi32>
      %and3A_420 = arith.constant 31 : i32
      %and3A_421 = vector.broadcast %and3A_420 : i32 to vector<16xi32>
      %and3A_422 = arith.andi %get3A_414, %and3A_421 : vector<16xi32>
      tpu.vector_store_idx %arg13[%shift_right_arithmetic3A_419, %and3A_422], %add3A_406 masked %and3A {add = true} : memref<16x32xf32, #tpu.memory_space<vmem>>[vector<16xi32>, vector<16xi32>], vector<16xf32>, vector<16xi1>
    }
    %scan3A_159 = arith.constant 196 : i32
    "tpu.region"() ({
      %run_scoped3A = tpu.sem_alloc : memref<!tpu.dma_semaphore, #tpu.memory_space<semaphore_mem>>
      %dma_start3A = arith.constant 0 : i32
      %dma_start3A_326 = tpu.memref_slice %arg11[%dma_start3A] : memref<3136xf32, #tpu.memory_space<vmem>> -> memref<3128xf32, #tpu.memory_space<vmem>>
      %dma_start3A_327 = tpu.memref_slice %arg7[%min3A_3] : memref<100000xf32, #tpu.memory_space<hbm>> -> memref<3128xf32, #tpu.memory_space<hbm>>
      %dma_start3A_328 = tpu.memref_slice %arg7[%min3A_3] : memref<100000xf32, #tpu.memory_space<hbm>> -> memref<3128xf32, #tpu.memory_space<hbm>>
      %dma_start3A_329 = arith.constant 0 : i32
      %dma_start3A_330 = tpu.memref_slice %arg11[%dma_start3A_329] : memref<3136xf32, #tpu.memory_space<vmem>> -> memref<3128xf32, #tpu.memory_space<vmem>>
      tpu.enqueue_dma source(%dma_start3A_330 : memref<3128xf32, #tpu.memory_space<vmem>>) target(%dma_start3A_328 : memref<3128xf32, #tpu.memory_space<hbm>>) target_semaphore(%run_scoped3A : memref<!tpu.dma_semaphore, #tpu.memory_space<semaphore_mem>>)
      %dma_wait3A = arith.constant 0 : i32
      %dma_wait3A_331 = tpu.memref_slice %arg11[%dma_wait3A] : memref<3136xf32, #tpu.memory_space<vmem>> -> memref<3128xf32, #tpu.memory_space<vmem>>
      %dma_wait3A_332 = tpu.memref_slice %arg7[%min3A_3] : memref<100000xf32, #tpu.memory_space<hbm>> -> memref<3128xf32, #tpu.memory_space<hbm>>
      %dma_wait3A_333 = tpu.memref_slice %arg7[%min3A_3] : memref<100000xf32, #tpu.memory_space<hbm>> -> memref<3128xf32, #tpu.memory_space<hbm>>
      %dma_wait3A_334 = arith.constant 0 : i32
      %dma_wait3A_335 = tpu.memref_slice %arg11[%dma_wait3A_334] : memref<3136xf32, #tpu.memory_space<vmem>> -> memref<3128xf32, #tpu.memory_space<vmem>>
      tpu.wait_dma2 semaphore(%run_scoped3A : memref<!tpu.dma_semaphore, #tpu.memory_space<semaphore_mem>>) src(%dma_wait3A_335 : memref<3128xf32, #tpu.memory_space<vmem>>) dst(%dma_wait3A_333 : memref<3128xf32, #tpu.memory_space<hbm>>)
      tpu.yield
    }) : () -> ()
    "tpu.region"() ({
      %run_scoped3A = tpu.sem_alloc : memref<!tpu.dma_semaphore, #tpu.memory_space<semaphore_mem>>
      %dma_start3A = arith.constant 0 : i32
      %dma_start3A_326 = arith.constant 0 : i32
      %dma_start3A_327 = tpu.memref_slice %arg16[%arg1, %dma_start3A, %dma_start3A_326] : memref<16x16x32xf32, #tpu.memory_space<vmem_shared>> -> memref<1x16x32xf32, #tpu.memory_space<vmem_shared>>
      %dma_start3A_328 = tpu.memref_squeeze %dma_start3A_327 : memref<1x16x32xf32, #tpu.memory_space<vmem_shared>> -> memref<16x32xf32, #tpu.memory_space<vmem_shared>>
      %dma_start3A_329 = arith.constant 0 : i32
      %dma_start3A_330 = arith.constant 0 : i32
      %dma_start3A_331 = tpu.memref_slice %arg16[%arg1, %dma_start3A_329, %dma_start3A_330] : memref<16x16x32xf32, #tpu.memory_space<vmem_shared>> -> memref<1x16x32xf32, #tpu.memory_space<vmem_shared>>
      %dma_start3A_332 = tpu.memref_squeeze %dma_start3A_331 : memref<1x16x32xf32, #tpu.memory_space<vmem_shared>> -> memref<16x32xf32, #tpu.memory_space<vmem_shared>>
      tpu.enqueue_dma source(%arg13 : memref<16x32xf32, #tpu.memory_space<vmem>>) target(%dma_start3A_332 : memref<16x32xf32, #tpu.memory_space<vmem_shared>>) target_semaphore(%run_scoped3A : memref<!tpu.dma_semaphore, #tpu.memory_space<semaphore_mem>>)
      %dma_wait3A = arith.constant 0 : i32
      %dma_wait3A_333 = arith.constant 0 : i32
      %dma_wait3A_334 = tpu.memref_slice %arg16[%arg1, %dma_wait3A, %dma_wait3A_333] : memref<16x16x32xf32, #tpu.memory_space<vmem_shared>> -> memref<1x16x32xf32, #tpu.memory_space<vmem_shared>>
      %dma_wait3A_335 = tpu.memref_squeeze %dma_wait3A_334 : memref<1x16x32xf32, #tpu.memory_space<vmem_shared>> -> memref<16x32xf32, #tpu.memory_space<vmem_shared>>
      %dma_wait3A_336 = arith.constant 0 : i32
      %dma_wait3A_337 = arith.constant 0 : i32
      %dma_wait3A_338 = tpu.memref_slice %arg16[%arg1, %dma_wait3A_336, %dma_wait3A_337] : memref<16x16x32xf32, #tpu.memory_space<vmem_shared>> -> memref<1x16x32xf32, #tpu.memory_space<vmem_shared>>
      %dma_wait3A_339 = tpu.memref_squeeze %dma_wait3A_338 : memref<1x16x32xf32, #tpu.memory_space<vmem_shared>> -> memref<16x32xf32, #tpu.memory_space<vmem_shared>>
      tpu.wait_dma2 semaphore(%run_scoped3A : memref<!tpu.dma_semaphore, #tpu.memory_space<semaphore_mem>>) src(%arg13 : memref<16x32xf32, #tpu.memory_space<vmem>>) dst(%dma_wait3A_339 : memref<16x32xf32, #tpu.memory_space<vmem_shared>>)
      tpu.yield
    }) : () -> ()
    %barrier3A = arith.constant 0 : index
    tpu.barrier barrier_id(%barrier3A)
    "tpu.region"() ({
      %run_scoped3A = tpu.sem_alloc : memref<!tpu.dma_semaphore, #tpu.memory_space<semaphore_mem>>
      %dma_start3A = arith.constant 0 : i32
      %dma_start3A_326 = arith.constant 0 : i32
      %dma_start3A_327 = tpu.memref_slice %arg16[%dma_start3A, %arg1, %dma_start3A_326] : memref<16x16x32xf32, #tpu.memory_space<vmem_shared>> -> memref<16x1x32xf32, #tpu.memory_space<vmem_shared>>
      %dma_start3A_328 = tpu.memref_squeeze %dma_start3A_327 : memref<16x1x32xf32, #tpu.memory_space<vmem_shared>> -> memref<16x32xf32, #tpu.memory_space<vmem_shared>>
      %dma_start3A_329 = arith.constant 0 : i32
      %dma_start3A_330 = arith.constant 0 : i32
      %dma_start3A_331 = tpu.memref_slice %arg16[%dma_start3A_329, %arg1, %dma_start3A_330] : memref<16x16x32xf32, #tpu.memory_space<vmem_shared>> -> memref<16x1x32xf32, #tpu.memory_space<vmem_shared>>
      %dma_start3A_332 = tpu.memref_squeeze %dma_start3A_331 : memref<16x1x32xf32, #tpu.memory_space<vmem_shared>> -> memref<16x32xf32, #tpu.memory_space<vmem_shared>>
      tpu.enqueue_dma source(%dma_start3A_332 : memref<16x32xf32, #tpu.memory_space<vmem_shared>>) target(%arg14 : memref<16x32xf32, #tpu.memory_space<vmem>>) target_semaphore(%run_scoped3A : memref<!tpu.dma_semaphore, #tpu.memory_space<semaphore_mem>>)
      %dma_wait3A = arith.constant 0 : i32
      %dma_wait3A_333 = arith.constant 0 : i32
      %dma_wait3A_334 = tpu.memref_slice %arg16[%dma_wait3A, %arg1, %dma_wait3A_333] : memref<16x16x32xf32, #tpu.memory_space<vmem_shared>> -> memref<16x1x32xf32, #tpu.memory_space<vmem_shared>>
      %dma_wait3A_335 = tpu.memref_squeeze %dma_wait3A_334 : memref<16x1x32xf32, #tpu.memory_space<vmem_shared>> -> memref<16x32xf32, #tpu.memory_space<vmem_shared>>
      %dma_wait3A_336 = arith.constant 0 : i32
      %dma_wait3A_337 = arith.constant 0 : i32
      %dma_wait3A_338 = tpu.memref_slice %arg16[%dma_wait3A_336, %arg1, %dma_wait3A_337] : memref<16x16x32xf32, #tpu.memory_space<vmem_shared>> -> memref<16x1x32xf32, #tpu.memory_space<vmem_shared>>
      %dma_wait3A_339 = tpu.memref_squeeze %dma_wait3A_338 : memref<16x1x32xf32, #tpu.memory_space<vmem_shared>> -> memref<16x32xf32, #tpu.memory_space<vmem_shared>>
      tpu.wait_dma2 semaphore(%run_scoped3A : memref<!tpu.dma_semaphore, #tpu.memory_space<semaphore_mem>>) src(%dma_wait3A_339 : memref<16x32xf32, #tpu.memory_space<vmem_shared>>) dst(%arg14 : memref<16x32xf32, #tpu.memory_space<vmem>>)
      tpu.yield
    }) : () -> ()
    %get3A_160 = arith.constant 0 : i32
    %get3A_161 = arith.index_cast %get3A_160 : i32 to index
    %get3A_162 = arith.constant 0 : index
    %get3A_163 = tpu.vector_load %arg14[%get3A_161, %get3A_162] {strides = array<i32>} : memref<16x32xf32, #tpu.memory_space<vmem>>, vector<16xf32>,
    %add3A_164 = arith.addf %broadcast_in_dim3A_8, %get3A_163 : vector<16xf32>
    %get3A_165 = arith.constant 1 : i32
    %get3A_166 = arith.index_cast %get3A_165 : i32 to index
    %get3A_167 = arith.constant 0 : index
    %get3A_168 = tpu.vector_load %arg14[%get3A_166, %get3A_167] {strides = array<i32>} : memref<16x32xf32, #tpu.memory_space<vmem>>, vector<16xf32>,
    %add3A_169 = arith.addf %add3A_164, %get3A_168 : vector<16xf32>
    %get3A_170 = arith.constant 2 : i32
    %get3A_171 = arith.index_cast %get3A_170 : i32 to index
    %get3A_172 = arith.constant 0 : index
    %get3A_173 = tpu.vector_load %arg14[%get3A_171, %get3A_172] {strides = array<i32>} : memref<16x32xf32, #tpu.memory_space<vmem>>, vector<16xf32>,
    %add3A_174 = arith.addf %add3A_169, %get3A_173 : vector<16xf32>
    %get3A_175 = arith.constant 3 : i32
    %get3A_176 = arith.index_cast %get3A_175 : i32 to index
    %get3A_177 = arith.constant 0 : index
    %get3A_178 = tpu.vector_load %arg14[%get3A_176, %get3A_177] {strides = array<i32>} : memref<16x32xf32, #tpu.memory_space<vmem>>, vector<16xf32>,
    %add3A_179 = arith.addf %add3A_174, %get3A_178 : vector<16xf32>
    %get3A_180 = arith.constant 4 : i32
    %get3A_181 = arith.index_cast %get3A_180 : i32 to index
    %get3A_182 = arith.constant 0 : index
    %get3A_183 = tpu.vector_load %arg14[%get3A_181, %get3A_182] {strides = array<i32>} : memref<16x32xf32, #tpu.memory_space<vmem>>, vector<16xf32>,
    %add3A_184 = arith.addf %add3A_179, %get3A_183 : vector<16xf32>
    %get3A_185 = arith.constant 5 : i32
    %get3A_186 = arith.index_cast %get3A_185 : i32 to index
    %get3A_187 = arith.constant 0 : index
    %get3A_188 = tpu.vector_load %arg14[%get3A_186, %get3A_187] {strides = array<i32>} : memref<16x32xf32, #tpu.memory_space<vmem>>, vector<16xf32>,
    %add3A_189 = arith.addf %add3A_184, %get3A_188 : vector<16xf32>
    %get3A_190 = arith.constant 6 : i32
    %get3A_191 = arith.index_cast %get3A_190 : i32 to index
    %get3A_192 = arith.constant 0 : index
    %get3A_193 = tpu.vector_load %arg14[%get3A_191, %get3A_192] {strides = array<i32>} : memref<16x32xf32, #tpu.memory_space<vmem>>, vector<16xf32>,
    %add3A_194 = arith.addf %add3A_189, %get3A_193 : vector<16xf32>
    %get3A_195 = arith.constant 7 : i32
    %get3A_196 = arith.index_cast %get3A_195 : i32 to index
    %get3A_197 = arith.constant 0 : index
    %get3A_198 = tpu.vector_load %arg14[%get3A_196, %get3A_197] {strides = array<i32>} : memref<16x32xf32, #tpu.memory_space<vmem>>, vector<16xf32>,
    %add3A_199 = arith.addf %add3A_194, %get3A_198 : vector<16xf32>
    %get3A_200 = arith.constant 8 : i32
    %get3A_201 = arith.index_cast %get3A_200 : i32 to index
    %get3A_202 = arith.constant 0 : index
    %get3A_203 = tpu.vector_load %arg14[%get3A_201, %get3A_202] {strides = array<i32>} : memref<16x32xf32, #tpu.memory_space<vmem>>, vector<16xf32>,
    %add3A_204 = arith.addf %add3A_199, %get3A_203 : vector<16xf32>
    %get3A_205 = arith.constant 9 : i32
    %get3A_206 = arith.index_cast %get3A_205 : i32 to index
    %get3A_207 = arith.constant 0 : index
    %get3A_208 = tpu.vector_load %arg14[%get3A_206, %get3A_207] {strides = array<i32>} : memref<16x32xf32, #tpu.memory_space<vmem>>, vector<16xf32>,
    %add3A_209 = arith.addf %add3A_204, %get3A_208 : vector<16xf32>
    %get3A_210 = arith.constant 10 : i32
    %get3A_211 = arith.index_cast %get3A_210 : i32 to index
    %get3A_212 = arith.constant 0 : index
    %get3A_213 = tpu.vector_load %arg14[%get3A_211, %get3A_212] {strides = array<i32>} : memref<16x32xf32, #tpu.memory_space<vmem>>, vector<16xf32>,
    %add3A_214 = arith.addf %add3A_209, %get3A_213 : vector<16xf32>
    %get3A_215 = arith.constant 11 : i32
    %get3A_216 = arith.index_cast %get3A_215 : i32 to index
    %get3A_217 = arith.constant 0 : index
    %get3A_218 = tpu.vector_load %arg14[%get3A_216, %get3A_217] {strides = array<i32>} : memref<16x32xf32, #tpu.memory_space<vmem>>, vector<16xf32>,
    %add3A_219 = arith.addf %add3A_214, %get3A_218 : vector<16xf32>
    %get3A_220 = arith.constant 12 : i32
    %get3A_221 = arith.index_cast %get3A_220 : i32 to index
    %get3A_222 = arith.constant 0 : index
    %get3A_223 = tpu.vector_load %arg14[%get3A_221, %get3A_222] {strides = array<i32>} : memref<16x32xf32, #tpu.memory_space<vmem>>, vector<16xf32>,
    %add3A_224 = arith.addf %add3A_219, %get3A_223 : vector<16xf32>
    %get3A_225 = arith.constant 13 : i32
    %get3A_226 = arith.index_cast %get3A_225 : i32 to index
    %get3A_227 = arith.constant 0 : index
    %get3A_228 = tpu.vector_load %arg14[%get3A_226, %get3A_227] {strides = array<i32>} : memref<16x32xf32, #tpu.memory_space<vmem>>, vector<16xf32>,
    %add3A_229 = arith.addf %add3A_224, %get3A_228 : vector<16xf32>
    %get3A_230 = arith.constant 14 : i32
    %get3A_231 = arith.index_cast %get3A_230 : i32 to index
    %get3A_232 = arith.constant 0 : index
    %get3A_233 = tpu.vector_load %arg14[%get3A_231, %get3A_232] {strides = array<i32>} : memref<16x32xf32, #tpu.memory_space<vmem>>, vector<16xf32>,
    %add3A_234 = arith.addf %add3A_229, %get3A_233 : vector<16xf32>
    %get3A_235 = arith.constant 15 : i32
    %get3A_236 = arith.index_cast %get3A_235 : i32 to index
    %get3A_237 = arith.constant 0 : index
    %get3A_238 = tpu.vector_load %arg14[%get3A_236, %get3A_237] {strides = array<i32>} : memref<16x32xf32, #tpu.memory_space<vmem>>, vector<16xf32>,
    %add3A_239 = arith.addf %add3A_234, %get3A_238 : vector<16xf32>
    %swap3A_240 = arith.constant 0 : index
    %swap3A_241 = tpu.vector_load %arg15[%swap3A_240] {strides = array<i32>} : memref<32xf32, #tpu.memory_space<vmem>>, vector<16xf32>,
    tpu.vector_store %arg15[%swap3A_240], %add3A_239 {strides = array<i32>} : memref<32xf32, #tpu.memory_space<vmem>>, vector<16xf32>,
    %get3A_242 = arith.constant 0 : i32
    %get3A_243 = arith.index_cast %get3A_242 : i32 to index
    %get3A_244 = arith.constant 16 : index
    %get3A_245 = tpu.vector_load %arg14[%get3A_243, %get3A_244] {strides = array<i32>} : memref<16x32xf32, #tpu.memory_space<vmem>>, vector<16xf32>,
    %add3A_246 = arith.addf %broadcast_in_dim3A_8, %get3A_245 : vector<16xf32>
    %get3A_247 = arith.constant 1 : i32
    %get3A_248 = arith.index_cast %get3A_247 : i32 to index
    %get3A_249 = arith.constant 16 : index
    %get3A_250 = tpu.vector_load %arg14[%get3A_248, %get3A_249] {strides = array<i32>} : memref<16x32xf32, #tpu.memory_space<vmem>>, vector<16xf32>,
    %add3A_251 = arith.addf %add3A_246, %get3A_250 : vector<16xf32>
    %get3A_252 = arith.constant 2 : i32
    %get3A_253 = arith.index_cast %get3A_252 : i32 to index
    %get3A_254 = arith.constant 16 : index
    %get3A_255 = tpu.vector_load %arg14[%get3A_253, %get3A_254] {strides = array<i32>} : memref<16x32xf32, #tpu.memory_space<vmem>>, vector<16xf32>,
    %add3A_256 = arith.addf %add3A_251, %get3A_255 : vector<16xf32>
    %get3A_257 = arith.constant 3 : i32
    %get3A_258 = arith.index_cast %get3A_257 : i32 to index
    %get3A_259 = arith.constant 16 : index
    %get3A_260 = tpu.vector_load %arg14[%get3A_258, %get3A_259] {strides = array<i32>} : memref<16x32xf32, #tpu.memory_space<vmem>>, vector<16xf32>,
    %add3A_261 = arith.addf %add3A_256, %get3A_260 : vector<16xf32>
    %get3A_262 = arith.constant 4 : i32
    %get3A_263 = arith.index_cast %get3A_262 : i32 to index
    %get3A_264 = arith.constant 16 : index
    %get3A_265 = tpu.vector_load %arg14[%get3A_263, %get3A_264] {strides = array<i32>} : memref<16x32xf32, #tpu.memory_space<vmem>>, vector<16xf32>,
    %add3A_266 = arith.addf %add3A_261, %get3A_265 : vector<16xf32>
    %get3A_267 = arith.constant 5 : i32
    %get3A_268 = arith.index_cast %get3A_267 : i32 to index
    %get3A_269 = arith.constant 16 : index
    %get3A_270 = tpu.vector_load %arg14[%get3A_268, %get3A_269] {strides = array<i32>} : memref<16x32xf32, #tpu.memory_space<vmem>>, vector<16xf32>,
    %add3A_271 = arith.addf %add3A_266, %get3A_270 : vector<16xf32>
    %get3A_272 = arith.constant 6 : i32
    %get3A_273 = arith.index_cast %get3A_272 : i32 to index
    %get3A_274 = arith.constant 16 : index
    %get3A_275 = tpu.vector_load %arg14[%get3A_273, %get3A_274] {strides = array<i32>} : memref<16x32xf32, #tpu.memory_space<vmem>>, vector<16xf32>,
    %add3A_276 = arith.addf %add3A_271, %get3A_275 : vector<16xf32>
    %get3A_277 = arith.constant 7 : i32
    %get3A_278 = arith.index_cast %get3A_277 : i32 to index
    %get3A_279 = arith.constant 16 : index
    %get3A_280 = tpu.vector_load %arg14[%get3A_278, %get3A_279] {strides = array<i32>} : memref<16x32xf32, #tpu.memory_space<vmem>>, vector<16xf32>,
    %add3A_281 = arith.addf %add3A_276, %get3A_280 : vector<16xf32>
    %get3A_282 = arith.constant 8 : i32
    %get3A_283 = arith.index_cast %get3A_282 : i32 to index
    %get3A_284 = arith.constant 16 : index
    %get3A_285 = tpu.vector_load %arg14[%get3A_283, %get3A_284] {strides = array<i32>} : memref<16x32xf32, #tpu.memory_space<vmem>>, vector<16xf32>,
    %add3A_286 = arith.addf %add3A_281, %get3A_285 : vector<16xf32>
    %get3A_287 = arith.constant 9 : i32
    %get3A_288 = arith.index_cast %get3A_287 : i32 to index
    %get3A_289 = arith.constant 16 : index
    %get3A_290 = tpu.vector_load %arg14[%get3A_288, %get3A_289] {strides = array<i32>} : memref<16x32xf32, #tpu.memory_space<vmem>>, vector<16xf32>,
    %add3A_291 = arith.addf %add3A_286, %get3A_290 : vector<16xf32>
    %get3A_292 = arith.constant 10 : i32
    %get3A_293 = arith.index_cast %get3A_292 : i32 to index
    %get3A_294 = arith.constant 16 : index
    %get3A_295 = tpu.vector_load %arg14[%get3A_293, %get3A_294] {strides = array<i32>} : memref<16x32xf32, #tpu.memory_space<vmem>>, vector<16xf32>,
    %add3A_296 = arith.addf %add3A_291, %get3A_295 : vector<16xf32>
    %get3A_297 = arith.constant 11 : i32
    %get3A_298 = arith.index_cast %get3A_297 : i32 to index
    %get3A_299 = arith.constant 16 : index
    %get3A_300 = tpu.vector_load %arg14[%get3A_298, %get3A_299] {strides = array<i32>} : memref<16x32xf32, #tpu.memory_space<vmem>>, vector<16xf32>,
    %add3A_301 = arith.addf %add3A_296, %get3A_300 : vector<16xf32>
    %get3A_302 = arith.constant 12 : i32
    %get3A_303 = arith.index_cast %get3A_302 : i32 to index
    %get3A_304 = arith.constant 16 : index
    %get3A_305 = tpu.vector_load %arg14[%get3A_303, %get3A_304] {strides = array<i32>} : memref<16x32xf32, #tpu.memory_space<vmem>>, vector<16xf32>,
    %add3A_306 = arith.addf %add3A_301, %get3A_305 : vector<16xf32>
    %get3A_307 = arith.constant 13 : i32
    %get3A_308 = arith.index_cast %get3A_307 : i32 to index
    %get3A_309 = arith.constant 16 : index
    %get3A_310 = tpu.vector_load %arg14[%get3A_308, %get3A_309] {strides = array<i32>} : memref<16x32xf32, #tpu.memory_space<vmem>>, vector<16xf32>,
    %add3A_311 = arith.addf %add3A_306, %get3A_310 : vector<16xf32>
    %get3A_312 = arith.constant 14 : i32
    %get3A_313 = arith.index_cast %get3A_312 : i32 to index
    %get3A_314 = arith.constant 16 : index
    %get3A_315 = tpu.vector_load %arg14[%get3A_313, %get3A_314] {strides = array<i32>} : memref<16x32xf32, #tpu.memory_space<vmem>>, vector<16xf32>,
    %add3A_316 = arith.addf %add3A_311, %get3A_315 : vector<16xf32>
    %get3A_317 = arith.constant 15 : i32
    %get3A_318 = arith.index_cast %get3A_317 : i32 to index
    %get3A_319 = arith.constant 16 : index
    %get3A_320 = tpu.vector_load %arg14[%get3A_318, %get3A_319] {strides = array<i32>} : memref<16x32xf32, #tpu.memory_space<vmem>>, vector<16xf32>,
    %add3A_321 = arith.addf %add3A_316, %get3A_320 : vector<16xf32>
    %swap3A_322 = arith.constant 16 : index
    %swap3A_323 = tpu.vector_load %arg15[%swap3A_322] {strides = array<i32>} : memref<32xf32, #tpu.memory_space<vmem>>, vector<16xf32>,
    tpu.vector_store %arg15[%swap3A_322], %add3A_321 {strides = array<i32>} : memref<32xf32, #tpu.memory_space<vmem>>, vector<16xf32>,
    %mul3A_324 = arith.constant 32 : i32
    %mul3A_325 = arith.muli %arg1, %mul3A_324 : i32
    "tpu.region"() ({
      %run_scoped3A = tpu.sem_alloc : memref<!tpu.dma_semaphore, #tpu.memory_space<semaphore_mem>>
      %dma_start3A = tpu.memref_slice %arg6[%arg0, %mul3A_325] : memref<2x512xf32, #tpu.memory_space<hbm>> -> memref<1x32xf32, #tpu.memory_space<hbm>>
      %dma_start3A_326 = tpu.memref_squeeze %dma_start3A : memref<1x32xf32, #tpu.memory_space<hbm>> -> memref<32xf32, #tpu.memory_space<hbm>>
      %dma_start3A_327 = tpu.memref_slice %arg6[%arg0, %mul3A_325] : memref<2x512xf32, #tpu.memory_space<hbm>> -> memref<1x32xf32, #tpu.memory_space<hbm>>
      %dma_start3A_328 = tpu.memref_squeeze %dma_start3A_327 : memref<1x32xf32, #tpu.memory_space<hbm>> -> memref<32xf32, #tpu.memory_space<hbm>>
      tpu.enqueue_dma source(%arg15 : memref<32xf32, #tpu.memory_space<vmem>>) target(%dma_start3A_328 : memref<32xf32, #tpu.memory_space<hbm>>) target_semaphore(%run_scoped3A : memref<!tpu.dma_semaphore, #tpu.memory_space<semaphore_mem>>)
      %dma_wait3A = tpu.memref_slice %arg6[%arg0, %mul3A_325] : memref<2x512xf32, #tpu.memory_space<hbm>> -> memref<1x32xf32, #tpu.memory_space<hbm>>
      %dma_wait3A_329 = tpu.memref_squeeze %dma_wait3A : memref<1x32xf32, #tpu.memory_space<hbm>> -> memref<32xf32, #tpu.memory_space<hbm>>
      %dma_wait3A_330 = tpu.memref_slice %arg6[%arg0, %mul3A_325] : memref<2x512xf32, #tpu.memory_space<hbm>> -> memref<1x32xf32, #tpu.memory_space<hbm>>
      %dma_wait3A_331 = tpu.memref_squeeze %dma_wait3A_330 : memref<1x32xf32, #tpu.memory_space<hbm>> -> memref<32xf32, #tpu.memory_space<hbm>>
      tpu.wait_dma2 semaphore(%run_scoped3A : memref<!tpu.dma_semaphore, #tpu.memory_space<semaphore_mem>>) src(%arg15 : memref<32xf32, #tpu.memory_space<vmem>>) dst(%dma_wait3A_331 : memref<32xf32, #tpu.memory_space<hbm>>)
      tpu.yield
    }) : () -> ()
    return
  }
}

</mosaic_0001>

<sc_bundles>
// kernel: kernel.3.cloned.1.call-start
scs
__scs_entry_jumppad:
0x0: {  	(pc) =	sbr.rel $0x88, $3  }
0x1: {  	(tag) =	ssettag $0x0;
	lr =	simm.s32 $0x1  }
0x2: {  	[smem:$0x3F9D] =	sst lr;
	_ =	strace $0xD0000000  }
0x3: {  	_ = 	snop  }
0x4: {  	_ = 	snop  }
0x5: {  	_ = 	snop  }
0x6: {  	_ = 	snop  }
0x7: {  	_ = 	snop  }
__scs_overlays_trampoline_lowered:
0x8: {  	[smem:$0x3FAC] =	sst s0  }
0x9: {  	[smem:$0x3FAD] =	sst s1  }
0xa: {  	[smem:$0x3FAE] =	sst s2  }
0xb: {  	[smem:$0x3FAF] =	sst s3  }
0xc: {  	[smem:$0x3FB0] =	sst s4  }
0xd: {  	[smem:$0x3FB1] =	sst s5  }
0xe: {  	[smem:$0x3FB2] =	sst s6  }
0xf: {  	[smem:$0x3FB3] =	sst s7  }
0x10: {  	[smem:$0x3FB4] =	sst s8  }
0x11: {  	[smem:$0x3FB5] =	sst s9;
	s0 =	simm.s32 @!p0 $0x0  }
0x12: {  	s1 =	sld [smem:$0x3F9B];
	s0 =	simm.s32 @p0 $0x1  }
0x13: {  	[smem:$0x3FB6] =	sst s0;
	s0 =	simm.s32 @!p1 $0x0  }
0x14: {  	s2 =	sld [smem:$0x3F9A];
	s0 =	simm.s32 @p1 $0x1  }
0x15: {  	[smem:$0x3FB7] =	sst s0;
	s0 =	simm.s32 @!p2 $0x0  }
0x16: {  	s3 =	sld [smem:$0x3FDB];
	s0 =	simm.s32 @p2 $0x1  }
0x17: {  	s4 =	simm.s32 $0x1BF5;
	[smem:$0x3FB9] =	sst s0  }
0x18: {  	s0 =	sld [smem:$0x3F9C];
	_ =	swait.ge [sflag:s4], $0x0  }
0x19: {  	s7 =	sld [smem:$0x3F9D]  }
0x1a: {  	s8 =	sadd.s32 $0xFFFFE003, lr  }
0x1b: {  	s9 =	sadd.s32 $0xFFFFFEF7, lr;
	s5 =	simm.s32 $0xFFFFFFFF;
	p2 =	slt.u32 s8, $0xFFFFF086  }
0x1c: {  	p1 =	slt.u32 s9, $0xF7A;
	s5 =	simm.s32 @!p2 $0x0  }
0x1d: {  	s5 =	simm.s32 @p1 $0x1;
	p0 =	seq.s32 s7, s2  }
0x1e: {  	s7 =	smul.u32 @!p0 $0xF7A, s2;
	p2 =	seq.s32 @!p0 s5, $0x0  }
0x1f: {  	s9 =	smul.u32 $0xF7A, s1;
	s8 =	simm.s32 @!p0 $0x1BF5;
	p2 =	por !p2, p0  }
0x20: {  	[sflag:s8] =	ssyncset.s32 @!p0 $0xFFFFF086;
	s6 =	sadd.s32 @!p0 s3, s7;
	s7 =	simm.s32 @!p0 $0x108  }
0x21: {  	s3 =	sadd.s32 s3, s9;
	s6 =	sadd.s32 @!p0 $0x88, s6;
	s7 =	simm.s32 @p2 $0x1082  }
0x22: {  	[simem:s7], [sflag:s8] =	dma.local @!p0 [hbm:s6], $0xF7A  }
0x23: {  	s9 =	sor.u32 $0xD0000000, s2;
	s6 =	simm.s32 $0x108;
	_ =	swait.ge @!p0 [sflag:s8], $0x0  }
0x24: {  	s3 =	sadd.s32 $0x88, s3;
	s6 =	simm.s32 @!p1 $0x1082;
	[sflag:s4] =	ssyncset.s32 $0xFFFFF086  }
0x25: {  	[simem:s6], [sflag:s4] =	dma.local [hbm:s3], $0xF7A  }
0x26: {  	[smem:$0x3F9D] =	sst s1;
	(tag) =	ssettag s2;
	_ =	strace s9  }
0x27: {  	s1 =	sld [smem:$0x3FAD]  }
0x28: {  	s2 =	sld [smem:$0x3FAE]  }
0x29: {  	s4 =	sld [smem:$0x3FB0]  }
0x2a: {  	p0 =	seq.s32 s5, $0x0;
	s5 =	sld [smem:$0x3FB1]  }
0x2b: {  	s6 =	sld [smem:$0x3FB2]  }
0x2c: {  	s7 =	sld [smem:$0x3FB3]  }
0x2d: {  	s3 =	simm.s32 $0x108;
	s8 =	sld [smem:$0x3FB4]  }
0x2e: {  	s3 =	simm.s32 @!p0 $0x1082;
	s9 =	sld [smem:$0x3FB5]  }
0x2f: {  	lr =	sadd.s32 s0, s3;
	s0 =	sld [smem:$0x3FAC]  }
0x30: {  	s3 =	sld [smem:$0x3FAF]  }
0x31: {  	[smem:$0x3FB8] =	sst s10  }
0x32: {  	s10 =	sld [smem:$0x3FB6];
	_ =	sdelay $0x3  }
0x33: {  	p0 =	seq.s32 s10, $0x1;
	s10 =	sld [smem:$0x3FB8];
	_ =	sdelay $0x3  }
0x34: {  	[smem:$0x3FB8] =	sst s10  }
0x35: {  	s10 =	sld [smem:$0x3FB7];
	_ =	sdelay $0x3  }
0x36: {  	p1 =	seq.s32 s10, $0x1;
	s10 =	sld [smem:$0x3FB8];
	_ =	sdelay $0x3  }
0x37: {  	[smem:$0x3FB8] =	sst s10  }
0x38: {  	s10 =	sld [smem:$0x3FB9]  }
0x39: {  	_ = 	snop;
	(pc) =	sbr.ind lr, $3  }
0x3a: {  	_ = 	snop  }
0x3b: {  	_ = 	snop  }
0x3c: {  	p2 =	seq.s32 s10, $0x1;
	s10 =	sld [smem:$0x3FB8]  }
0x3d: {  	_ =	shalt  }
0x3e: {  	_ =	shalt  }
0x3f: {  	_ =	shalt  }
0x40: {  	_ =	shalt  }
0x41: {  	_ =	shalt  }
0x42: {  	_ =	shalt  }
0x43: {  	_ =	shalt  }
0x44: {  	_ =	shalt  }
0x45: {  	_ =	shalt  }
0x46: {  	_ =	shalt  }
0x47: {  	_ =	shalt  }
0x48: {  	_ =	shalt  }
0x49: {  	_ =	shalt  }
0x4a: {  	_ =	shalt  }
0x4b: {  	_ =	shalt  }
0x4c: {  	_ =	shalt  }
0x4d: {  	_ =	shalt  }
0x4e: {  	_ =	shalt  }
0x4f: {  	_ =	shalt  }
0x50: {  	_ =	shalt  }
0x51: {  	_ =	shalt  }
0x52: {  	_ =	shalt  }
0x53: {  	_ =	shalt  }
0x54: {  	_ =	shalt  }
0x55: {  	_ =	shalt  }
0x56: {  	_ =	shalt  }
0x57: {  	_ =	shalt  }
0x58: {  	_ =	shalt  }
0x59: {  	_ =	shalt  }
0x5a: {  	_ =	shalt  }
0x5b: {  	_ =	shalt  }
0x5c: {  	_ =	shalt  }
0x5d: {  	_ =	shalt  }
0x5e: {  	_ =	shalt  }
0x5f: {  	_ =	shalt  }
0x60: {  	_ =	shalt  }
0x61: {  	_ =	shalt  }
0x62: {  	_ =	shalt  }
0x63: {  	_ =	shalt  }
0x64: {  	_ =	shalt  }
0x65: {  	_ =	shalt  }
0x66: {  	_ =	shalt  }
0x67: {  	_ =	shalt  }
0x68: {  	_ =	shalt  }
0x69: {  	_ =	shalt  }
0x6a: {  	_ =	shalt  }
0x6b: {  	_ =	shalt  }
0x6c: {  	_ =	shalt  }
0x6d: {  	_ =	shalt  }
0x6e: {  	_ =	shalt  }
0x6f: {  	_ =	shalt  }
0x70: {  	_ =	shalt  }
0x71: {  	_ =	shalt  }
0x72: {  	_ =	shalt  }
0x73: {  	_ =	shalt  }
0x74: {  	_ =	shalt  }
0x75: {  	_ =	shalt  }
0x76: {  	_ =	shalt  }
0x77: {  	_ =	shalt  }
0x78: {  	_ =	shalt  }
0x79: {  	_ =	shalt  }
0x7a: {  	_ =	shalt  }
0x7b: {  	_ =	shalt  }
0x7c: {  	_ =	shalt  }
0x7d: {  	_ =	shalt  }
0x7e: {  	_ =	shalt  }
0x7f: {  	_ =	shalt  }
0x80: {  	_ =	shalt  }
0x81: {  	_ =	shalt  }
0x82: {  	_ =	shalt  }
0x83: {  	_ =	shalt  }
0x84: {  	_ =	shalt  }
0x85: {  	_ =	shalt  }
0x86: {  	_ =	shalt  }
0x87: {  	_ =	shalt  }
.Lfunc_end0:
.L_simem_size_0:
called_computation_lowered:
.L_overlay_start_0:
0x88: {  	s2 =	sld [smem:$0x3FD9]  }
0x89: {  	s3 =	sld [smem:$0x3FFE];
	_ =	sdelay $0x1  }
0x8a: {  	s1 =	srdreg.scid  }
0x8b: {  	s0 =	sand.u32 $0x1, s1  }
0x8c: {  	s14 =	sshll.u32 s0, $0xA;
	s2 =	sadd.s32 s3, s2  }
0x8d: {  	s2 =	sadd.s32 s2, s14  }
0x8e: {  	[smem:$0x3FC4] =	sst s2  }
0x8f: {  	_ = 	snop  }
0x90: {  	s2 =	sld [smem:$0x3FD0]  }
0x91: {  	s15 =	sld [smem:$0x3FC8]  }
0x92: {  	s4 =	sld [smem:$0x3FC7]  }
0x93: {  	s6 =	simm.s32 $0xA;
	s7 =	simm.s32 $0x10;
	s5 =	sld [smem:$0x3FC6]  }
0x94: {  	[smem:s7], [sflag:s6] =	dma.local [hbm:s2], $0x1  }
0x95: {  	_ =	swait.eq [sflag:s6], $0x1  }
0x96: {  	[sflag:s6] =	ssyncset.done $0x0  }
0x97: {  	[sflag:s6] =	ssyncadd.s32 $0xFFFFFFFF  }
0x98: {  	s16 =	sld [smem:$0x11];
	(tm) =	ssettm $0x1  }
0x99: {  	s17 =	sld [smem:$0x3FFB];
	_ =	sdelay $0x3  }
0x9a: {  	_ =	strace s17  }
0x9b: {  	s6 =	sld [smem:$0x3FFC];
	_ =	sdelay $0x3  }
0x9c: {  	_ =	strace s6  }
0x9d: {  	s6 =	sld [smem:$0x3FFD];
	_ =	sdelay $0x3  }
0x9e: {  	_ =	strace s6  }
0x9f: {  	_ =	strace $0x8FFFFFFF  }
0xa0: {  	s18 =	sld [smem:$0x3FDB];
	_ =	sdelay $0x1  }
0xa1: {  	s19 =	simm.s32 $_scs_section_size  }
0xa2: {  	s8 =	simm.s32 $_size__tile_overlayer_lowered;
	s9 =	simm.s32 $_tile_overlayer_lowered  }
0xa3: {  	s22 =	simm.s32 $0x1BFF;
	s21 =	sshll.u32 s9, $0x1;
	s6 =	sadd.s32 s19, s18  }
0xa4: {  	s10 =	simm.s32 $0x0;
	s20 =	sshll.u32 s8, $0x1;
	s8 =	sadd.s32 s21, s6  }
0xa5: {  	[timem:s10], [sflag:s22] =	dma.local [hbm:s8], s20  }
0xa6: {  	_ =	swait.ge [sflag:s22], s20  }
0xa7: {  	s7 =	ssub.s32 $0x0, s20;
	[sflag:s22] =	ssyncset.done $0x0  }
0xa8: {  	[sflag:s22] =	ssyncadd.s32 s7;
	_ =	sdelay $0x1  }
0xa9: {  	s23 =	simm.s32 $0x1B8B  }
0xaa: {  	_ =	swait.ge [sflag:s23], $0x1  }
0xab: {  	[sflag:s23] =	ssyncset.done $0x0  }
0xac: {  	s25 =	simm.s32 $0x1B8E;
	s24 =	sld [smem:$0x3FFE];
	[sflag:s23] =	ssyncadd.s32 $0xFFFFFFFF  }
0xad: {  	s26 =	simm.s32 $execute0_lowered;
	[smem:$0x3FD2] =	sst s25  }
0xae: {  	s8 =	sshll.u32 s26, $0x1;
	_ =	strace $0x80000046;
	[dreg:$0x1] =	wrdreg $0xFFFFFFFF  }
0xaf: {  	s28 =	simm.s32 $_size_execute0_lowered;
	s6 =	sadd.s32 s6, s8;
	[dreg:$0x0] =	wrdreg $0x0  }
0xb0: {  	s8 =	sshll.u32 s28, $0x1;
	[dreg:$0x2] =	wrdreg s6  }
0xb1: {  	[dreg:$0x3] =	wrdreg s8  }
0xb2: {  	[dreg:$0x4] =	wrdreg $0xC0  }
0xb3: {  	_ =	task [dreg:s10], $0x5FFFF  }
0xb4: {  	[dreg:$0x1] =	wrdreg $0xFFFFFFFF  }
0xb5: {  	[dreg:$0x0] =	wrdreg $0x60  }
0xb6: {  	[dreg:$0x2] =	wrdreg s24  }
0xb7: {  	[dreg:$0x3] =	wrdreg s15  }
0xb8: {  	[dreg:$0x4] =	wrdreg s4  }
0xb9: {  	[dreg:$0x5] =	wrdreg s5  }
0xba: {  	[dreg:$0x6] =	wrdreg s16  }
0xbb: {  	[dreg:$0x7] =	wrdreg $0xB1000  }
0xbc: {  	[dreg:$0x8] =	wrdreg $0x9  }
0xbd: {  	_ =	task.clear_ibuf [dreg:s10], $0x9FFFF;
	_ =	strace $0x90000046  }
0xbe: {  	s29 =	simm.s32 $0x9;
	_ =	strace $0x80000048  }
0xbf: {  	_ =	swait.ge [sflag:s29], $0x1  }
0xc0: {  	[sflag:s29] =	ssyncadd.s32 $0xFFFFFFFF  }
0xc1: {  	_ =	strace $0x90000048  }
0xc2: {  	_ =	sfence  }
0xc3: {  	s30 =	sld [smem:$0x0];
	_ =	sdelay $0x2  }
0xc4: {  	s31 =	sshll.u32 s1, $0xD;
	s1 =	sshrl.u32 s1, $0x2  }
0xc5: {  	s3 =	sand.u32 $0x4000, s31;
	s1 =	sadd.s32 s1, s30  }
0xc6: {  	s0 =	sor.u32 s3, s0;
	s1 =	sshll.u32 s1, $0x11  }
0xc7: {  	s0 =	sor.u32 s1, s0  }
0xc8: {  	s0 =	sadd.s32 $0x8F2B, s0  }
0xc9: {  	[sflag:s0] =	ssyncadd.remote.s32 $0x1  }
0xca: {  	_ =	sfence.sel $0xFFFF  }
0xcb: {  	[dreg:$0x0] =	wrdreg $0xFFFFFFFF;
	(pc) =	sbr.abs _section_cstart, $3  }
0xcc: {  	[dreg:$0x1] =	wrdreg $0xFFFFFFFF  }
0xcd: {  	_ =	task.clear_ibuf [dreg:s10], $0x2FFFF;
	_ =	strace $0x9FFFFFFF  }
0xce: {  	(tm) =	ssettm $0x7FFFFFFF  }
0xcf: {  	_ =	shalt  }
tec
execute0_lowered:
.L_overlay_start_1:
0x0: {  	(tag) =	ssettag $0x1  }
0x1: {  	s4 =	rddreg [dreg:$0x0]  }
0x2: {  	s5 =	rddreg [dreg:$0x1]  }
0x3: {  	s6 =	rddreg [dreg:$0x2]  }
0x4: {  	s1 =	srdreg.scid;
	s2 =	rddreg [dreg:$0x3]  }
0x5: {  	s0 =	stileid.u32;
	s8 =	rddreg [dreg:$0x4]  }
0x6: {  	s10 =	rddreg [dreg:$0x5];
	s3 =	simm.s32 $0x0;
	s16 =	simm.s32 $0x80  }
0x7: {  	s17 =	simm.s32 $0x800;
	s19 =	simm.s32 $0xB080;
	s20 =	simm.s32 $0x0  }
0x8: {  	s7 =	sand.u32 $0x1, s1;
	s23 =	sshll.u32 s0, $0x1;
	[smem:$0x7FF] =	sst s3  }
0x9: {  	s25 =	sshll.u32 s0, $0x3;
	s28 =	sshll.u32 s0, $0x2;
	s29 =	sshll.u32 s0, $0xB  }
0xa: {  	s31 =	sshll.u32 s0, $0x7;
	s1 =	sor.u32 s7, s23;
	s13 =	ssub.s32 $0x2, s7  }
0xb: {  	s7 =	sshll.u32 s7, $0x4;
	s26 =	sand.u32 $0x60, s25;
	s9 =	smul.u32 $0xC38, s1  }
0xc: {  	s1 =	rddreg [dreg:$0x6];
	s14 =	sshrl.u32 s13, $0x1;
	s15 =	sadd.s32 s7, s4  }
0xd: {  	_ =	strace $0x80000047;
	s13 =	ssub.s32 s13, s14;
	s30 =	sadd.s32 s26, s15  }
0xe: {  	s14 =	simm.s32 $0xA080;
	s15 =	simm.s32 $0x9380;
	s11 =	smin.u32 s9, $0x17A68  }
0xf: {  	s12 =	smul.u32 $0xA, s11;
	s18 =	ssub.s32 s9, s11;
	s24 =	sshrl.u32 s11, $0x3  }
0x10: {  	s9 =	sand.u32 $0xC, s28;
	s11 =	smax.u32 s13, $0x1;
	s13 =	simm.s32 $0xA000  }
0x11: {  	s5 =	sadd.s32 s5, s24;
	s6 =	sadd.s32 s6, s24;
	s12 =	sshrl.u32 s12, $0x3  }
0x12: {  	s7 =	sadd.s32 s8, s24;
	s8 =	sadd.s32 s29, s10;
	s12 =	sadd.s32 s12, s4  }
0x13: {  	v0 =	vmov s18;
	s18 =	simm.s32 $0xA880;
	s4 =	sadd.s32 $0x187200, s12;
	s12 =	sadd.s32 s9, s30  }
0x14: {  	v1 =	vimm.f32 $0.0e+00;
	v2 =	vlaneseq.u32;
	s9 =	sadd.s32 s31, s10;
	s10 =	sadd.s32 $0x800, s12;
	s12 =	simm.s32 $0x1  }
.LBB2_1:
0x15: {  	[tilespmem:s3], [sflag:$0x1] =	stream.linear.gather [hbm4b:s4+s3], $0x7A30, $0x38;
	[tilespmem:$0xB300] =	vst v63  }
0x16: {  	_ =	swait.ge [sflag:s12], $0x7A30  }
0x17: {  	[sflag:s12] =	ssyncset.done $0x0  }
0x18: {  	s22 =	simm.s32 $0x7A80;
	[sflag:s12] =	ssyncadd.s32 $0xFFFF85D0  }
0x19: {  	[tilespmem:s22], [sflag:$0x1] =	stream.linear.gather [hbm4b:s5+s3], $0xC38, $0x38;
	[tilespmem:$0xB300] =	vst v63  }
0x1a: {  	_ =	swait.ge [sflag:s12], $0xC38  }
0x1b: {  	[sflag:s12] =	ssyncset.done $0x0  }
0x1c: {  	s21 =	simm.s32 $0x8700;
	[sflag:s12] =	ssyncadd.s32 $0xFFFFF3C8  }
0x1d: {  	[tilespmem:s21], [sflag:$0x1] =	stream.linear.gather [hbm4b:s6+s3], $0xC38, $0x38;
	[tilespmem:$0xB300] =	vst v63  }
0x1e: {  	_ =	swait.ge [sflag:s12], $0xC38  }
0x1f: {  	[sflag:s12] =	ssyncset.done $0x0  }
0x20: {  	[sflag:s12] =	ssyncadd.s32 $0xFFFFF3C8  }
0x21: {  	[tilespmem:s13], [sflag:$0x1] =	stream.linear.gather [hbm4b:s2+s3], $0xA, $0x38;
	[tilespmem:$0xB300] =	vst v63  }
0x22: {  	_ =	swait.ge [sflag:s12], $0xA  }
0x23: {  	[sflag:s12] =	ssyncset.done $0x0  }
0x24: {  	[sflag:s12] =	ssyncadd.s32 $0xFFFFFFF6  }
0x25: {  	[tilespmem:$0xA080] =	vst v1  }
0x26: {  	[tilespmem:$0xA090] =	vst v1  }
0x27: {  	[tilespmem:$0xA100] =	vst v1  }
0x28: {  	[tilespmem:$0xA110] =	vst v1  }
0x29: {  	[tilespmem:$0xA180] =	vst v1  }
0x2a: {  	[tilespmem:$0xA190] =	vst v1  }
0x2b: {  	[tilespmem:$0xA200] =	vst v1  }
0x2c: {  	[tilespmem:$0xA210] =	vst v1  }
0x2d: {  	[tilespmem:$0xA280] =	vst v1  }
0x2e: {  	[tilespmem:$0xA290] =	vst v1  }
0x2f: {  	[tilespmem:$0xA300] =	vst v1  }
0x30: {  	[tilespmem:$0xA310] =	vst v1  }
0x31: {  	[tilespmem:$0xA380] =	vst v1  }
0x32: {  	[tilespmem:$0xA390] =	vst v1  }
0x33: {  	[tilespmem:$0xA400] =	vst v1  }
0x34: {  	[tilespmem:$0xA410] =	vst v1  }
0x35: {  	[tilespmem:$0xA480] =	vst v1  }
0x36: {  	[tilespmem:$0xA490] =	vst v1  }
0x37: {  	[tilespmem:$0xA500] =	vst v1  }
0x38: {  	[tilespmem:$0xA510] =	vst v1  }
0x39: {  	[tilespmem:$0xA580] =	vst v1  }
0x3a: {  	[tilespmem:$0xA590] =	vst v1  }
0x3b: {  	[tilespmem:$0xA600] =	vst v1  }
0x3c: {  	[tilespmem:$0xA610] =	vst v1  }
0x3d: {  	[tilespmem:$0xA680] =	vst v1  }
0x3e: {  	v13 =	vor.u32 s3, v2;
	[tilespmem:$0xA690] =	vst v1  }
0x3f: {  	v9 =	vmul.u32 $0xA, v13;
	[tilespmem:$0xA700] =	vst v1  }
0x40: {  	[tilespmem:$0xA710] =	vst v1  }
0x41: {  	v3 =	vor.u32 $0x1, v9;
	[tilespmem:$0xA780] =	vst v1  }
0x42: {  	[tilespmem:$0xA790] =	vst v1  }
0x43: {  	[tilespmem:$0xA800] =	vst v1;
	v12 =	vld [tilespmem:$0xA000]  }
0x44: {  	v4 =	vadd.s32 $0x2, v9;
	[tilespmem:$0xA810] =	vst v1  }
0x45: {  	v5 =	vld.idx.msk [tilespmem:v9+s3+$0x0], $0xffff  }
0x46: {  	v6 =	vadd.s32 $0x3, v9;
	v7 =	vld.idx.msk [tilespmem:v3+s3+$0x0], $0xffff  }
0x47: {  	v8 =	vld [tilespmem:s21+$0x0]  }
0x48: {  	v10 =	vadd.s32 $0x4, v9;
	v3 =	vbroadcast v12, $0x0  }
0x49: {  	v11 =	vld.idx.msk [tilespmem:v4+s3+$0x0], $0xffff  }
0x4a: {  	v14 =	vadd.s32 $0x5, v9;
	v4 =	vbroadcast v12, $0x1;
	v15 =	vmul.f32 v5, v3  }
0x4b: {  	v17 =	vadd.s32 $0x6, v9;
	v16 =	vld.idx.msk [tilespmem:v6+s3+$0x0], $0xffff  }
0x4c: {  	v5 =	vbroadcast v12, $0x2;
	v7 =	vmul.f32 v7, v4;
	v8 =	vadd.f32 v15, v8  }
0x4d: {  	v10 =	vld.idx.msk [tilespmem:v10+s3+$0x0], $0xffff;
	v6 =	vbroadcast v12, $0x3  }
0x4e: {  	v15 =	vadd.s32 $0x7, v9;
	v11 =	vmul.f32 v11, v5;
	v8 =	vadd.f32 v7, v8  }
0x4f: {  	v18 =	vadd.s32 $0x8, v9;
	v14 =	vld.idx.msk [tilespmem:v14+s3+$0x0], $0xffff  }
0x50: {  	v16 =	vmul.f32 v16, v6;
	v7 =	vbroadcast v12, $0x4;
	v11 =	vadd.f32 v11, v8  }
0x51: {  	v19 =	vadd.s32 $0x9, v9;
	v17 =	vld.idx.msk [tilespmem:v17+s3+$0x0], $0xffff  }
0x52: {  	v8 =	vbroadcast v12, $0x5;
	v10 =	vmul.f32 v10, v7;
	v11 =	vadd.f32 v16, v11  }
0x53: {  	v15 =	vld.idx.msk [tilespmem:v15+s3+$0x0], $0xffff  }
0x54: {  	v9 =	vbroadcast v12, $0x6;
	v14 =	vmul.f32 v14, v8;
	v11 =	vadd.f32 v10, v11  }
0x55: {  	v16 =	vld.idx.msk [tilespmem:v18+s3+$0x0], $0xffff  }
0x56: {  	v17 =	vmul.f32 v17, v9;
	v10 =	vbroadcast v12, $0x7;
	v14 =	vadd.f32 v14, v11  }
0x57: {  	v18 =	vld.idx.msk [tilespmem:v19+s3+$0x0], $0xffff  }
0x58: {  	v11 =	vbroadcast v12, $0x8;
	v15 =	vmul.f32 v15, v10;
	v14 =	vadd.f32 v17, v14;
	_ =	sdelay $0x1  }
0x59: {  	v12 =	vbroadcast v12, $0x9;
	v14 =	vadd.f32 v15, v14;
	v15 =	vmul.f32 v16, v11;
	_ =	sdelay $0x1  }
0x5a: {  	v14 =	vadd.f32 v15, v14;
	v15 =	vmul.f32 v18, v12;
	_ =	sdelay $0x1  }
0x5b: {  	v17 =	vadd.f32 v15, v14;
	_ =	sdelay $0x1  }
0x5c: {  	[tilespmem:s15+$0x0] =	vst v17  }
0x5d: {  	v14 =	vld [tilespmem:s22+$0x0];
	_ =	sdelay $0x3  }
0x5e: {  	s31 =	simm.s32 $0x10;
	vm0 =	vge.u32 v13, v0;
	vm1 =	vlt.u32 v13, $0xC38  }
0x5f: {  	vm0 =	vmand vm0, vm1;
	v15 =	vor.u32 s31, v2;
	v13 =	vshll.u32 v14, $0x2  }
0x60: {  	v21 =	vmul.u32 $0xA, v15;
	v14 =	vand.u32 $0x1F, v14;
	v13 =	vand.u32 $0xFFFFFF80, v13  }
0x61: {  	vm1 =	vge.u32 v15, v0;
	vm2 =	vlt.u32 v15, $0xC38;
	v24 =	vor.u32 v14, v13  }
0x62: {  	v23 =	vor.u32 $0x1, v21;
	v22 =	vadd.s32 $0x2, v21;
	v20 =	vadd.s32 $0x3, v21  }
0x63: {  	v19 =	vadd.s32 $0x4, v21;
	v18 =	vadd.s32 $0x5, v21;
	v16 =	vadd.s32 $0x6, v21  }
0x64: {  	s26 =	simm.s32 $0x20;
	s23 =	simm.s32 $0x9380;
	v15 =	vadd.s32 $0x7, v21;
	s22 =	simm.s32 $0x7A90;
	v14 =	vadd.s32 $0x8, v21;
	v13 =	vadd.s32 $0x9, v21  }
.LBB2_2:
0x65: {  	s21 =	sadd.s32 $0x10, s21  }
0x66: {  	[tilespmem:v24+s14+$0x0] =	vst.idx.add.f32.msk vm0, v17;
	vm0 =	vmand vm1, vm2;
	s23 =	sadd.s32 $0x10, s23;
	s25 =	smov.u32 s26;
	s24 =	sadd.s32 $0x10, s26  }
0x67: {  	p0 =	sne.s32 s26, $0xC30;
	v17 =	vld.idx.msk [tilespmem:v21+s3+$0x0], $0xffff;
	_ =	sdelay $0x1  }
0x68: {  	v21 =	vld.idx.msk [tilespmem:v23+s3+$0x0], $0xffff  }
0x69: {  	v23 =	vld [tilespmem:s21+$0x0]  }
0x6a: {  	v22 =	vld.idx.msk [tilespmem:v22+s3+$0x0], $0xffff;
	_ =	sdelay $0x1  }
0x6b: {  	v17 =	vmul.f32 v17, v3;
	v20 =	vld.idx.msk [tilespmem:v20+s3+$0x0], $0xffff;
	_ =	sdelay $0x1  }
0x6c: {  	v21 =	vmul.f32 v21, v4;
	v17 =	vadd.f32 v17, v23;
	v19 =	vld.idx.msk [tilespmem:v19+s3+$0x0], $0xffff;
	_ =	sdelay $0x1  }
0x6d: {  	v17 =	vadd.f32 v21, v17;
	v21 =	vmul.f32 v22, v5;
	v18 =	vld.idx.msk [tilespmem:v18+s3+$0x0], $0xffff;
	_ =	sdelay $0x1  }
0x6e: {  	v20 =	vmul.f32 v20, v6;
	v17 =	vadd.f32 v21, v17;
	v16 =	vld.idx.msk [tilespmem:v16+s3+$0x0], $0xffff;
	_ =	sdelay $0x1  }
0x6f: {  	v19 =	vmul.f32 v19, v7;
	v17 =	vadd.f32 v20, v17;
	v15 =	vld.idx.msk [tilespmem:v15+s3+$0x0], $0xffff;
	_ =	sdelay $0x1  }
0x70: {  	v18 =	vmul.f32 v18, v8;
	v17 =	vadd.f32 v19, v17;
	v14 =	vld.idx.msk [tilespmem:v14+s3+$0x0], $0xffff;
	_ =	sdelay $0x1  }
0x71: {  	v16 =	vmul.f32 v16, v9;
	v17 =	vadd.f32 v18, v17;
	v13 =	vld.idx.msk [tilespmem:v13+s3+$0x0], $0xffff;
	_ =	sdelay $0x1  }
0x72: {  	v15 =	vmul.f32 v15, v10;
	v16 =	vadd.f32 v16, v17;
	_ =	sdelay $0x1  }
0x73: {  	v14 =	vmul.f32 v14, v11;
	v15 =	vadd.f32 v15, v16;
	_ =	sdelay $0x1  }
0x74: {  	v13 =	vmul.f32 v13, v12;
	v14 =	vadd.f32 v14, v15;
	_ =	sdelay $0x1  }
0x75: {  	v17 =	vadd.f32 v13, v14;
	_ =	sdelay $0x1  }
0x76: {  	[tilespmem:s23+$0x0] =	vst v17  }
0x77: {  	v13 =	vld [tilespmem:s22+$0x0];
	_ =	sdelay $0x4  }
0x78: {  	v14 =	vshll.u32 v13, $0x2  }
0x79: {  	v15 =	vor.u32 s25, v2;
	v13 =	vand.u32 $0x1F, v13;
	v14 =	vand.u32 $0xFFFFFF80, v14  }
.Ltmp0:
0x7a: {  	v21 =	vmul.u32 $0xA, v15;
	vm1 =	vge.u32 v15, v0;
	v24 =	vor.u32 v13, v14;
	(pc) =	sbr.rel @p0 .LBB2_2-.Ltmp0, $4  }
0x7b: {  	vm2 =	vlt.u32 v15, $0xC38  }
0x7c: {  	v23 =	vor.u32 $0x1, v21;
	v22 =	vadd.s32 $0x2, v21;
	v20 =	vadd.s32 $0x3, v21  }
0x7d: {  	v19 =	vadd.s32 $0x4, v21;
	v18 =	vadd.s32 $0x5, v21;
	v16 =	vadd.s32 $0x6, v21  }
0x7e: {  	s26 =	smov.u32 s24;
	v15 =	vadd.s32 $0x7, v21;
	s22 =	sadd.s32 $0x10, s22;
	v14 =	vadd.s32 $0x8, v21;
	v13 =	vadd.s32 $0x9, v21  }
0x7f: {  	_ =	sdelay $0x4  }
0x80: {  	[tilespmem:v24+s14+$0x0] =	vst.idx.add.f32.msk vm0, v17  }
0x81: {  	v17 =	vld.idx.msk [tilespmem:v21+s3+$0x0], $0xffff  }
0x82: {  	s21 =	sadd.s32 $0x10, s21;
	v60 =	vld.idx.msk [tilespmem:v23+s3+$0x0], $0xffff  }
0x83: {  	v61 =	vld [tilespmem:s21+$0x0];
	_ =	sdelay $0x1  }
0x84: {  	v22 =	vld.idx.msk [tilespmem:v22+s3+$0x0], $0xffff  }
0x85: {  	v3 =	vmul.f32 v17, v3  }
0x86: {  	v62 =	vld.idx.msk [tilespmem:v20+s3+$0x0], $0xffff  }
0x87: {  	v4 =	vmul.f32 v60, v4;
	v3 =	vadd.f32 v3, v61  }
0x88: {  	v19 =	vld.idx.msk [tilespmem:v19+s3+$0x0], $0xffff  }
0x89: {  	v63 =	vmul.f32 v22, v5;
	v3 =	vadd.f32 v4, v3  }
0x8a: {  	v18 =	vld.idx.msk [tilespmem:v18+s3+$0x0], $0xffff  }
0x8b: {  	v20 =	vmul.f32 v62, v6;
	v3 =	vadd.f32 v63, v3  }
0x8c: {  	v21 =	vld.idx.msk [tilespmem:v16+s3+$0x0], $0xffff  }
0x8d: {  	v22 =	vmul.f32 v19, v7;
	v3 =	vadd.f32 v20, v3  }
0x8e: {  	v23 =	vld.idx.msk [tilespmem:v15+s3+$0x0], $0xffff  }
0x8f: {  	v24 =	vmul.f32 v18, v8;
	v3 =	vadd.f32 v22, v3  }
0x90: {  	v25 =	vld.idx.msk [tilespmem:v14+s3+$0x0], $0xffff  }
0x91: {  	v26 =	vmul.f32 v21, v9;
	v3 =	vadd.f32 v24, v3  }
0x92: {  	v27 =	vld.idx.msk [tilespmem:v13+s3+$0x0], $0xffff  }
0x93: {  	v28 =	vmul.f32 v23, v10;
	v3 =	vadd.f32 v26, v3;
	_ =	sdelay $0x1  }
0x94: {  	v29 =	vmul.f32 v25, v11;
	v3 =	vadd.f32 v28, v3;
	_ =	sdelay $0x1  }
0x95: {  	v30 =	vmul.f32 v27, v12;
	v3 =	vadd.f32 v29, v3;
	_ =	sdelay $0x1  }
0x96: {  	v3 =	vadd.f32 v30, v3  }
0x97: {  	s31 =	sadd.s32 $0x10, s23  }
0x98: {  	[tilespmem:s31+$0x0] =	vst v3  }
0x99: {  	v31 =	vld [tilespmem:s22+$0x0];
	_ =	sdelay $0x4  }
0x9a: {  	v32 =	vshll.u32 v31, $0x2  }
0x9b: {  	vm15 =	vmand vm1, vm2;
	v4 =	vand.u32 $0x1F, v31;
	v5 =	vand.u32 $0xFFFFFF80, v32  }
0x9c: {  	v4 =	vor.u32 v4, v5;
	_ =	sdelay $0x4  }
0x9d: {  	[tilespmem:v4+s14+$0x0] =	vst.idx.add.f32.msk vm15, v3  }
0x9e: {  	[hbm4b:s7+s3] =	stream.linear.scatter [tilespmem:s15], [sflag:$0x1], $0xC38, $0x38;
	[tilespmem:$0xB300] =	vst v63  }
0x9f: {  	_ =	swait.ge [sflag:s12], $0xC38  }
0xa0: {  	[sflag:s12] =	ssyncset.done $0x0  }
0xa1: {  	[sflag:s12] =	ssyncadd.s32 $0xFFFFF3C8  }
0xa2: {  	[spmem:s8] =	stream.linear.scatter [tilespmem:s14], [sflag:$0x1], $0x800, $0x38;
	[tilespmem:$0xB300] =	vst v63  }
0xa3: {  	_ =	swait.ge [sflag:s12], $0x800  }
0xa4: {  	[sflag:s12] =	ssyncset.done $0x0  }
0xa5: {  	[sflag:s12] =	ssyncadd.s32 $0xFFFFF800  }
0xa6: {  	[bflag:$0x0] =	sbarrier.arrive $0xFFFF  }
0xa7: {  	[tilespmem:s18], [sflag:$0x1] =	stream.strided.gather [spmem:s9], $0x800, s17, s16, $0x38;
	[tilespmem:$0xB300] =	vst v63  }
0xa8: {  	_ =	swait.ge [sflag:s12], $0x800  }
0xa9: {  	[sflag:s12] =	ssyncset.done $0x0  }
0xaa: {  	[sflag:s12] =	ssyncadd.s32 $0xFFFFF800  }
0xab: {  	v3 =	vld [tilespmem:$0xA880]  }
0xac: {  	v33 =	vld [tilespmem:$0xA890]  }
0xad: {  	v34 =	vld [tilespmem:$0xA900]  }
0xae: {  	v35 =	vld [tilespmem:$0xA910]  }
0xaf: {  	v36 =	vld [tilespmem:$0xA980]  }
0xb0: {  	v37 =	vld [tilespmem:$0xA990];
	v3 =	vadd.f32 $0.0e+00, v3  }
0xb1: {  	v38 =	vld [tilespmem:$0xAA00];
	v4 =	vadd.f32 $0.0e+00, v33  }
0xb2: {  	v39 =	vld [tilespmem:$0xAA10];
	v3 =	vadd.f32 v34, v3  }
0xb3: {  	v40 =	vld [tilespmem:$0xAA80];
	v4 =	vadd.f32 v35, v4  }
0xb4: {  	v41 =	vld [tilespmem:$0xAA90];
	v3 =	vadd.f32 v36, v3  }
0xb5: {  	v42 =	vld [tilespmem:$0xAB00];
	v4 =	vadd.f32 v37, v4  }
0xb6: {  	v43 =	vld [tilespmem:$0xAB10];
	v3 =	vadd.f32 v38, v3  }
0xb7: {  	v44 =	vld [tilespmem:$0xAB80];
	v4 =	vadd.f32 v39, v4  }
0xb8: {  	v45 =	vld [tilespmem:$0xAB90];
	v3 =	vadd.f32 v40, v3  }
0xb9: {  	v46 =	vld [tilespmem:$0xAC00];
	v4 =	vadd.f32 v41, v4  }
0xba: {  	v47 =	vld [tilespmem:$0xAC10];
	v3 =	vadd.f32 v42, v3  }
0xbb: {  	v48 =	vld [tilespmem:$0xAC80];
	v4 =	vadd.f32 v43, v4  }
0xbc: {  	v49 =	vld [tilespmem:$0xAC90];
	v3 =	vadd.f32 v44, v3  }
0xbd: {  	v50 =	vld [tilespmem:$0xAD00];
	v4 =	vadd.f32 v45, v4  }
0xbe: {  	v51 =	vld [tilespmem:$0xAD10];
	v3 =	vadd.f32 v46, v3  }
0xbf: {  	v52 =	vld [tilespmem:$0xAD80];
	v4 =	vadd.f32 v47, v4  }
0xc0: {  	v53 =	vld [tilespmem:$0xAD90];
	v3 =	vadd.f32 v48, v3  }
0xc1: {  	v54 =	vld [tilespmem:$0xAE00];
	v4 =	vadd.f32 v49, v4  }
0xc2: {  	v55 =	vld [tilespmem:$0xAE10];
	v3 =	vadd.f32 v50, v3  }
0xc3: {  	v56 =	vld [tilespmem:$0xAE80];
	v4 =	vadd.f32 v51, v4  }
0xc4: {  	v57 =	vld [tilespmem:$0xAE90];
	v3 =	vadd.f32 v52, v3  }
0xc5: {  	v58 =	vld [tilespmem:$0xAF00];
	v4 =	vadd.f32 v53, v4  }
0xc6: {  	v59 =	vld [tilespmem:$0xAF10];
	v3 =	vadd.f32 v54, v3  }
0xc7: {  	v60 =	vld [tilespmem:$0xAF80];
	v4 =	vadd.f32 v55, v4  }
0xc8: {  	v61 =	vld [tilespmem:$0xAF90];
	v3 =	vadd.f32 v56, v3  }
0xc9: {  	v62 =	vld [tilespmem:$0xB000];
	v4 =	vadd.f32 v57, v4  }
0xca: {  	v63 =	vld [tilespmem:$0xB010];
	v3 =	vadd.f32 v58, v3  }
0xcb: {  	v4 =	vadd.f32 v59, v4  }
0xcc: {  	v3 =	vadd.f32 v60, v3  }
0xcd: {  	v4 =	vadd.f32 v61, v4  }
0xce: {  	v3 =	vadd.f32 v62, v3  }
0xcf: {  	s20 =	sadd.s32 $0x1, s20;
	v4 =	vadd.f32 v63, v4  }
0xd0: {  	p0 =	sne.s32 s20, s11;
	[tilespmem:$0xB080] =	vst v3  }
.Ltmp1:
0xd1: {  	[tilespmem:$0xB090] =	vst v4;
	(pc) =	sbr.rel @p0 .LBB2_1-.Ltmp1, $4  }
0xd2: {  	[hbm4b:s10+s3] =	stream.linear.scatter [tilespmem:s19], [sflag:$0x1], $0x20, $0x38;
	[tilespmem:$0xB300] =	vst v63  }
0xd3: {  	_ =	swait.ge [sflag:s12], $0x20  }
0xd4: {  	[sflag:s12] =	ssyncset.done $0x0  }
0xd5: {  	[sflag:s12] =	ssyncadd.s32 $0xFFFFFFE0  }
0xd6: {  	_ =	sfence.sel $0x180000  }
0xd7: {  	[bflag:$0x0] =	sbarrier.arrive $0xFFFF  }
0xd8: {  	p0 =	sne.s32 s0, $0x0;
	_ =	strace $0x90000047  }
0xd9: {  	s0 =	sadd.s32 @!p0 $0x100000, s1;
	[bflag:$0x2] =	sbarrier.arrive $0xFFFF  }
0xda: {  	[sflag:s0] =	ssyncadd.tile.s32 @!p0 $0x1;
	_ =	shalt  }
.Lfunc_end2:
_tile_overlayer_lowered:
.L_overlay_start_2:
0xdb: {  	(tag) =	ssettag $0x2  }
0xdc: {  	s0 =	rddreg [dreg:$0x0];
	s2 =	stileid.u32  }
0xdd: {  	s1 =	rddreg [dreg:$0x1];
	p0 =	sne.s32 s2, $0x0  }
0xde: {  	s3 =	rddreg [dreg:$0x2];
	[bflag:$0x3] =	sbarrier.arrive $0xFFFF;
	s2 =	simm.s32 @!p0 $0x1C01  }
0xdf: {  	[timem:s3], [sflag:s2] =	dma.local @!p0 [hbm:s0], s1  }
0xe0: {  	s0 =	simm.s32 @!p0 $0x1  }
0xe1: {  	_ =	swait.ge @!p0 [sflag:s0], s1  }
0xe2: {  	s1 =	ssub.s32 @!p0 $0x0, s1;
	[sflag:s0] =	ssyncset.done @!p0 $0x0  }
0xe3: {  	[sflag:s0] =	ssyncadd.s32 @!p0 s1  }
0xe4: {  	[bflag:$0x3] =	sbarrier.arrive $0xFFFF  }
0xe5: {  	_ =	shalt  }

</sc_bundles>
